<compile_context>
chip_gen: v7x
topology: tpu7x:2x2x1
jax: 0.10.2.dev20260603
libtpu: 0.0.44.dev20260713+nightly
codegen_flags: <defaults>
</compile_context>

<pallas_src>
import functools

import jax
import jax.numpy as jnp
from jax import lax
from jax.experimental import pallas as pl
from jax.experimental.pallas import tpu as pltpu
from jax.experimental.pallas import tpu_sc as plsc

SEQ = 50
NB = 16384
DIM = 64
VOCAB = 1000000
NC = 2
NS = 16
NW = NC * NS
BPW = NB // NW
CH = 128
NCH = BPW // CH
LANES = 16

L_BLK = 32768
NL = (VOCAB + L_BLK - 1) // L_BLK
VPAD = NL * L_BLK


def _project_body(embT_ref, wrow_ref, v_ref):
    v_ref[...] = jnp.dot(wrow_ref[...], embT_ref[...],
                         preferred_element_type=jnp.float32)


def _ctx_body(s_ref, p_ref, n_ref, wt_ref, ctx_ref):
    ctx_ref[...] = (s_ref[...] * wt_ref[0, 0] + p_ref[...] * wt_ref[0, 1]
                    + n_ref[...] * wt_ref[0, 2] + wt_ref[0, 3])


_sc_mesh = plsc.VectorSubcoreMesh(core_axis_name="c", subcore_axis_name="s")


@functools.partial(
    pl.kernel,
    out_type=jax.ShapeDtypeStruct((NB,), jnp.float32),
    mesh=_sc_mesh,
    scratch_types=[
        pltpu.VMEM((SEQ, BPW), jnp.int32),
        pltpu.VMEM((SEQ, BPW), jnp.float32),
        pltpu.VMEM((BPW,), jnp.float32),
        pltpu.VMEM((BPW,), jnp.float32),
        pltpu.SemaphoreType.DMA,
    ],
)
def _sc_gather_mean(v_hbm, title_hbm, ctx_hbm, out_hbm,
                    idx_v, val_v, ctx_v, out_v, sem):
    cid = lax.axis_index("c")
    sid = lax.axis_index("s")
    wid = sid * NC + cid
    base = wid * BPW

    pltpu.sync_copy(title_hbm.at[:, pl.ds(base, BPW)], idx_v)
    pltpu.sync_copy(ctx_hbm.at[pl.ds(base, BPW)], ctx_v)

    def _fire(l):
        for k in range(NCH):
            pltpu.make_async_copy(
                v_hbm.at[idx_v.at[l, pl.ds(k * CH, CH)]],
                val_v.at[l, pl.ds(k * CH, CH)],
                sem).start()

    def _drain(l):
        for k in range(NCH):
            pltpu.make_async_copy(
                v_hbm.at[idx_v.at[l, pl.ds(k * CH, CH)]],
                val_v.at[l, pl.ds(k * CH, CH)],
                sem).wait()

    _fire(0)
    _fire(1)
    _fire(2)

    def _loop(l, carry):
        _fire(l)
        _drain(l - 3)
        return carry

    lax.fori_loop(3, SEQ, _loop, 0)
    _drain(SEQ - 3)
    _drain(SEQ - 2)
    _drain(SEQ - 1)

    def _red(g, carry):
        sl = pl.ds(g * LANES, LANES)
        acc = val_v[0, sl]
        for l in range(1, SEQ):
            acc = acc + val_v[l, sl]
        out_v[sl] = acc * (1.0 / SEQ) + ctx_v[sl]
        return carry

    lax.fori_loop(0, BPW // LANES, _red, 0)
    pltpu.sync_copy(out_v, out_hbm.at[pl.ds(base, BPW)])


def kernel(title, serious, spoiler, nsfw, emb_table, fc_w, fc_b):
    title = title.astype(jnp.int32)
    w_emb = fc_w[:, :DIM]
    wtail = jnp.concatenate([fc_w[0, DIM:DIM + 3], fc_b]).reshape(1, 4)

    v2 = pl.pallas_call(
        _project_body,
        grid=(NL,),
        in_specs=[
            pl.BlockSpec((DIM, L_BLK), lambda i: (0, i)),
            pl.BlockSpec((1, DIM), lambda i: (0, 0)),
        ],
        out_specs=pl.BlockSpec((1, L_BLK), lambda i: (0, i)),
        out_shape=jax.ShapeDtypeStruct((1, VPAD), jnp.float32),
    )(emb_table.T, w_emb)
    v = v2.reshape(VPAD)

    ctx = pl.pallas_call(
        _ctx_body,
        in_specs=[
            pl.BlockSpec((NB,), lambda: (0,)),
            pl.BlockSpec((NB,), lambda: (0,)),
            pl.BlockSpec((NB,), lambda: (0,)),
            pl.BlockSpec((1, 4), lambda: (0, 0)),
        ],
        out_specs=pl.BlockSpec((NB,), lambda: (0,)),
        out_shape=jax.ShapeDtypeStruct((NB,), jnp.float32),
    )(serious, spoiler, nsfw, wtail)

    return _sc_gather_mean(v, title, ctx)

# --- scband reference (transcript-rebuilt; emitter-appended) ---
"""Pipeline reference for scband-baseline-88064009437425 (READ-ONLY COPY).

The authoritative reference and input builder live on the scoring server;
editing this copy changes nothing except your own understanding.
"""

import jax, jax.numpy as jnp
import numpy as np

VOCAB = 1000000
EMB_DIM = 64
L = 50
B = 16384

def setup_inputs(seed: int = 0) -> dict:
    key = jax.random.key(seed)
    k1, k2, k3, k4, k5, k6, k7 = jax.random.split(key, 7)
    title = jax.random.randint(k1, (L, B), 0, VOCAB, dtype=jnp.int64)
    serious = jax.random.uniform(k2, (B,), dtype=jnp.float32)
    spoiler = jax.random.uniform(k3, (B,), dtype=jnp.float32)
    nsfw = jax.random.uniform(k4, (B,), dtype=jnp.float32)
    # learned parameters (pretrained embedding table + linear head)
    emb_table = jax.random.normal(k5, (VOCAB, EMB_DIM), dtype=jnp.float32) * 0.02
    fc_w = jax.random.normal(k6, (1, EMB_DIM + 3), dtype=jnp.float32) * (1.0 / np.sqrt(EMB_DIM + 3))
    fc_b = jax.random.normal(k7, (1,), dtype=jnp.float32) * 0.01
    return {"title": title, "serious": serious, "spoiler": spoiler, "nsfw": nsfw,
            "emb_table": emb_table, "fc_w": fc_w, "fc_b": fc_b}

def reference(title, serious, spoiler, nsfw, emb_table, fc_w, fc_b):
    # embedding lookup: [L, B] -> [L, B, D]
    embedded = jnp.take(emb_table, title, axis=0)
    # mean over sequence dim (dim 0)
    average = embedded.mean(axis=0)  # [B, D]
    s = serious[:, None].astype(jnp.float32)
    p = spoiler[:, None].astype(jnp.float32)
    n = nsfw[:, None].astype(jnp.float32)
    average_and_context = jnp.concatenate([average, s, p, n], axis=1)  # [B, D+3]
    output = average_and_context @ fc_w.T + fc_b  # [B, 1]
    return output.squeeze(1)  # [B]

if __name__ == "__main__":
    import jax
    _d = setup_inputs()
    print(jax.jit(kernel)(*tuple(_d.values())))

</pallas_src>

<mosaic_0001>
#map = affine_map<(d0, d1) -> (0)>
#map1 = affine_map<(d0, d1) -> (0, 0)>
module attributes {stable_mosaic.version = 14 : i64} {
  func.func @_sc_gather_mean(%arg0: i32, %arg1: i32, %arg2: memref<1015808xf32, #tpu.memory_space<hbm>>, %arg3: memref<50x16384xi32, #tpu.memory_space<hbm>>, %arg4: memref<16384xf32, #tpu.memory_space<hbm>>, %arg5: memref<16384xf32, #tpu.memory_space<hbm>>, %arg6: memref<50x512xi32, #tpu.memory_space<vmem>>, %arg7: memref<50x512xf32, #tpu.memory_space<vmem>>, %arg8: memref<512xf32, #tpu.memory_space<vmem>>, %arg9: memref<512xf32, #tpu.memory_space<vmem>>, %arg10: memref<!tpu.dma_semaphore, #tpu.memory_space<semaphore_mem>>) attributes {dimension_semantics = [#tpu.dimension_semantics<core_parallel>, #tpu.dimension_semantics<subcore_parallel>], iteration_bounds = array<i64: 2, 16>, scalar_prefetch = 0 : i64, scratch_operands = 5 : i64, tpu.core_type = #tpu.core_type<sc_vector_subcore>, window_params = [{transform_indices = #map}, {transform_indices = #map1}, {transform_indices = #map}, {transform_indices = #map}]} {
    %mul3A = arith.constant 2 : i32
    %mul3A_0 = arith.muli %arg1, %mul3A : i32
    %add3A = arith.addi %mul3A_0, %arg0 : i32
    %mul3A_1 = arith.constant 512 : i32
    %mul3A_2 = arith.muli %add3A, %mul3A_1 : i32
    "tpu.region"() ({
      %run_scoped3A = tpu.sem_alloc : memref<!tpu.dma_semaphore, #tpu.memory_space<semaphore_mem>>
      %dma_start3A_252 = arith.constant 0 : i32
      %dma_start3A_253 = tpu.memref_slice %arg3[%dma_start3A_252, %mul3A_2] : memref<50x16384xi32, #tpu.memory_space<hbm>> -> memref<50x512xi32, #tpu.memory_space<hbm>>
      %dma_start3A_254 = arith.constant 0 : i32
      %dma_start3A_255 = tpu.memref_slice %arg3[%dma_start3A_254, %mul3A_2] : memref<50x16384xi32, #tpu.memory_space<hbm>> -> memref<50x512xi32, #tpu.memory_space<hbm>>
      tpu.enqueue_dma source(%dma_start3A_255 : memref<50x512xi32, #tpu.memory_space<hbm>>) target(%arg6 : memref<50x512xi32, #tpu.memory_space<vmem>>) target_semaphore(%run_scoped3A : memref<!tpu.dma_semaphore, #tpu.memory_space<semaphore_mem>>)
      %dma_wait3A_256 = arith.constant 0 : i32
      %dma_wait3A_257 = tpu.memref_slice %arg3[%dma_wait3A_256, %mul3A_2] : memref<50x16384xi32, #tpu.memory_space<hbm>> -> memref<50x512xi32, #tpu.memory_space<hbm>>
      %dma_wait3A_258 = arith.constant 0 : i32
      %dma_wait3A_259 = tpu.memref_slice %arg3[%dma_wait3A_258, %mul3A_2] : memref<50x16384xi32, #tpu.memory_space<hbm>> -> memref<50x512xi32, #tpu.memory_space<hbm>>
      tpu.wait_dma2 semaphore(%run_scoped3A : memref<!tpu.dma_semaphore, #tpu.memory_space<semaphore_mem>>) src(%dma_wait3A_259 : memref<50x512xi32, #tpu.memory_space<hbm>>) dst(%arg6 : memref<50x512xi32, #tpu.memory_space<vmem>>)
      tpu.yield
    }) : () -> ()
    "tpu.region"() ({
      %run_scoped3A = tpu.sem_alloc : memref<!tpu.dma_semaphore, #tpu.memory_space<semaphore_mem>>
      %dma_start3A_252 = tpu.memref_slice %arg4[%mul3A_2] : memref<16384xf32, #tpu.memory_space<hbm>> -> memref<512xf32, #tpu.memory_space<hbm>>
      %dma_start3A_253 = tpu.memref_slice %arg4[%mul3A_2] : memref<16384xf32, #tpu.memory_space<hbm>> -> memref<512xf32, #tpu.memory_space<hbm>>
      tpu.enqueue_dma source(%dma_start3A_253 : memref<512xf32, #tpu.memory_space<hbm>>) target(%arg8 : memref<512xf32, #tpu.memory_space<vmem>>) target_semaphore(%run_scoped3A : memref<!tpu.dma_semaphore, #tpu.memory_space<semaphore_mem>>)
      %dma_wait3A_254 = tpu.memref_slice %arg4[%mul3A_2] : memref<16384xf32, #tpu.memory_space<hbm>> -> memref<512xf32, #tpu.memory_space<hbm>>
      %dma_wait3A_255 = tpu.memref_slice %arg4[%mul3A_2] : memref<16384xf32, #tpu.memory_space<hbm>> -> memref<512xf32, #tpu.memory_space<hbm>>
      tpu.wait_dma2 semaphore(%run_scoped3A : memref<!tpu.dma_semaphore, #tpu.memory_space<semaphore_mem>>) src(%dma_wait3A_255 : memref<512xf32, #tpu.memory_space<hbm>>) dst(%arg8 : memref<512xf32, #tpu.memory_space<vmem>>)
      tpu.yield
    }) : () -> ()
    %dma_start3A = arith.constant 0 : i32
    %dma_start3A_3 = arith.constant 0 : i32
    %dma_start3A_4 = arith.constant 0 : i32
    %dma_start3A_5 = tpu.memref_slice %arg7[%dma_start3A_3, %dma_start3A_4] : memref<50x512xf32, #tpu.memory_space<vmem>> -> memref<1x128xf32, #tpu.memory_space<vmem>>
    %dma_start3A_6 = tpu.memref_squeeze %dma_start3A_5 : memref<1x128xf32, #tpu.memory_space<vmem>> -> memref<128xf32, #tpu.memory_space<vmem>>
    %dma_start3A_7 = arith.constant 0 : i32
    %dma_start3A_8 = tpu.memref_slice %arg6[%dma_start3A, %dma_start3A_7] : memref<50x512xi32, #tpu.memory_space<vmem>> -> memref<1x128xi32, #tpu.memory_space<vmem>>
    %dma_start3A_9 = tpu.memref_squeeze %dma_start3A_8 : memref<1x128xi32, #tpu.memory_space<vmem>> -> memref<128xi32, #tpu.memory_space<vmem>>
    %dma_start3A_10 = arith.constant 0 : i32
    %dma_start3A_11 = tpu.memref_slice %arg2[%dma_start3A_10] : memref<1015808xf32, #tpu.memory_space<hbm>> -> memref<1015808xf32, #tpu.memory_space<hbm>>
    tpu.enqueue_indirect_dma source(%dma_start3A_11 : memref<1015808xf32, #tpu.memory_space<hbm>>) target(%dma_start3A_6 : memref<128xf32, #tpu.memory_space<vmem>>) offsets(%dma_start3A_9 : memref<128xi32, #tpu.memory_space<vmem>>) semaphore(%arg10 : memref<!tpu.dma_semaphore, #tpu.memory_space<semaphore_mem>>)
    %dma_start3A_12 = arith.constant 0 : i32
    %dma_start3A_13 = arith.constant 0 : i32
    %dma_start3A_14 = arith.constant 128 : i32
    %dma_start3A_15 = tpu.memref_slice %arg7[%dma_start3A_13, %dma_start3A_14] : memref<50x512xf32, #tpu.memory_space<vmem>> -> memref<1x128xf32, #tpu.memory_space<vmem>>
    %dma_start3A_16 = tpu.memref_squeeze %dma_start3A_15 : memref<1x128xf32, #tpu.memory_space<vmem>> -> memref<128xf32, #tpu.memory_space<vmem>>
    %dma_start3A_17 = arith.constant 128 : i32
    %dma_start3A_18 = tpu.memref_slice %arg6[%dma_start3A_12, %dma_start3A_17] : memref<50x512xi32, #tpu.memory_space<vmem>> -> memref<1x128xi32, #tpu.memory_space<vmem>>
    %dma_start3A_19 = tpu.memref_squeeze %dma_start3A_18 : memref<1x128xi32, #tpu.memory_space<vmem>> -> memref<128xi32, #tpu.memory_space<vmem>>
    %dma_start3A_20 = arith.constant 0 : i32
    %dma_start3A_21 = tpu.memref_slice %arg2[%dma_start3A_20] : memref<1015808xf32, #tpu.memory_space<hbm>> -> memref<1015808xf32, #tpu.memory_space<hbm>>
    tpu.enqueue_indirect_dma source(%dma_start3A_21 : memref<1015808xf32, #tpu.memory_space<hbm>>) target(%dma_start3A_16 : memref<128xf32, #tpu.memory_space<vmem>>) offsets(%dma_start3A_19 : memref<128xi32, #tpu.memory_space<vmem>>) semaphore(%arg10 : memref<!tpu.dma_semaphore, #tpu.memory_space<semaphore_mem>>)
    %dma_start3A_22 = arith.constant 0 : i32
    %dma_start3A_23 = arith.constant 0 : i32
    %dma_start3A_24 = arith.constant 256 : i32
    %dma_start3A_25 = tpu.memref_slice %arg7[%dma_start3A_23, %dma_start3A_24] : memref<50x512xf32, #tpu.memory_space<vmem>> -> memref<1x128xf32, #tpu.memory_space<vmem>>
    %dma_start3A_26 = tpu.memref_squeeze %dma_start3A_25 : memref<1x128xf32, #tpu.memory_space<vmem>> -> memref<128xf32, #tpu.memory_space<vmem>>
    %dma_start3A_27 = arith.constant 256 : i32
    %dma_start3A_28 = tpu.memref_slice %arg6[%dma_start3A_22, %dma_start3A_27] : memref<50x512xi32, #tpu.memory_space<vmem>> -> memref<1x128xi32, #tpu.memory_space<vmem>>
    %dma_start3A_29 = tpu.memref_squeeze %dma_start3A_28 : memref<1x128xi32, #tpu.memory_space<vmem>> -> memref<128xi32, #tpu.memory_space<vmem>>
    %dma_start3A_30 = arith.constant 0 : i32
    %dma_start3A_31 = tpu.memref_slice %arg2[%dma_start3A_30] : memref<1015808xf32, #tpu.memory_space<hbm>> -> memref<1015808xf32, #tpu.memory_space<hbm>>
    tpu.enqueue_indirect_dma source(%dma_start3A_31 : memref<1015808xf32, #tpu.memory_space<hbm>>) target(%dma_start3A_26 : memref<128xf32, #tpu.memory_space<vmem>>) offsets(%dma_start3A_29 : memref<128xi32, #tpu.memory_space<vmem>>) semaphore(%arg10 : memref<!tpu.dma_semaphore, #tpu.memory_space<semaphore_mem>>)
    %dma_start3A_32 = arith.constant 0 : i32
    %dma_start3A_33 = arith.constant 0 : i32
    %dma_start3A_34 = arith.constant 384 : i32
    %dma_start3A_35 = tpu.memref_slice %arg7[%dma_start3A_33, %dma_start3A_34] : memref<50x512xf32, #tpu.memory_space<vmem>> -> memref<1x128xf32, #tpu.memory_space<vmem>>
    %dma_start3A_36 = tpu.memref_squeeze %dma_start3A_35 : memref<1x128xf32, #tpu.memory_space<vmem>> -> memref<128xf32, #tpu.memory_space<vmem>>
    %dma_start3A_37 = arith.constant 384 : i32
    %dma_start3A_38 = tpu.memref_slice %arg6[%dma_start3A_32, %dma_start3A_37] : memref<50x512xi32, #tpu.memory_space<vmem>> -> memref<1x128xi32, #tpu.memory_space<vmem>>
    %dma_start3A_39 = tpu.memref_squeeze %dma_start3A_38 : memref<1x128xi32, #tpu.memory_space<vmem>> -> memref<128xi32, #tpu.memory_space<vmem>>
    %dma_start3A_40 = arith.constant 0 : i32
    %dma_start3A_41 = tpu.memref_slice %arg2[%dma_start3A_40] : memref<1015808xf32, #tpu.memory_space<hbm>> -> memref<1015808xf32, #tpu.memory_space<hbm>>
    tpu.enqueue_indirect_dma source(%dma_start3A_41 : memref<1015808xf32, #tpu.memory_space<hbm>>) target(%dma_start3A_36 : memref<128xf32, #tpu.memory_space<vmem>>) offsets(%dma_start3A_39 : memref<128xi32, #tpu.memory_space<vmem>>) semaphore(%arg10 : memref<!tpu.dma_semaphore, #tpu.memory_space<semaphore_mem>>)
    %dma_start3A_42 = arith.constant 1 : i32
    %dma_start3A_43 = arith.constant 1 : i32
    %dma_start3A_44 = arith.constant 0 : i32
    %dma_start3A_45 = tpu.memref_slice %arg7[%dma_start3A_43, %dma_start3A_44] : memref<50x512xf32, #tpu.memory_space<vmem>> -> memref<1x128xf32, #tpu.memory_space<vmem>>
    %dma_start3A_46 = tpu.memref_squeeze %dma_start3A_45 : memref<1x128xf32, #tpu.memory_space<vmem>> -> memref<128xf32, #tpu.memory_space<vmem>>
    %dma_start3A_47 = arith.constant 0 : i32
    %dma_start3A_48 = tpu.memref_slice %arg6[%dma_start3A_42, %dma_start3A_47] : memref<50x512xi32, #tpu.memory_space<vmem>> -> memref<1x128xi32, #tpu.memory_space<vmem>>
    %dma_start3A_49 = tpu.memref_squeeze %dma_start3A_48 : memref<1x128xi32, #tpu.memory_space<vmem>> -> memref<128xi32, #tpu.memory_space<vmem>>
    %dma_start3A_50 = arith.constant 0 : i32
    %dma_start3A_51 = tpu.memref_slice %arg2[%dma_start3A_50] : memref<1015808xf32, #tpu.memory_space<hbm>> -> memref<1015808xf32, #tpu.memory_space<hbm>>
    tpu.enqueue_indirect_dma source(%dma_start3A_51 : memref<1015808xf32, #tpu.memory_space<hbm>>) target(%dma_start3A_46 : memref<128xf32, #tpu.memory_space<vmem>>) offsets(%dma_start3A_49 : memref<128xi32, #tpu.memory_space<vmem>>) semaphore(%arg10 : memref<!tpu.dma_semaphore, #tpu.memory_space<semaphore_mem>>)
    %dma_start3A_52 = arith.constant 1 : i32
    %dma_start3A_53 = arith.constant 1 : i32
    %dma_start3A_54 = arith.constant 128 : i32
    %dma_start3A_55 = tpu.memref_slice %arg7[%dma_start3A_53, %dma_start3A_54] : memref<50x512xf32, #tpu.memory_space<vmem>> -> memref<1x128xf32, #tpu.memory_space<vmem>>
    %dma_start3A_56 = tpu.memref_squeeze %dma_start3A_55 : memref<1x128xf32, #tpu.memory_space<vmem>> -> memref<128xf32, #tpu.memory_space<vmem>>
    %dma_start3A_57 = arith.constant 128 : i32
    %dma_start3A_58 = tpu.memref_slice %arg6[%dma_start3A_52, %dma_start3A_57] : memref<50x512xi32, #tpu.memory_space<vmem>> -> memref<1x128xi32, #tpu.memory_space<vmem>>
    %dma_start3A_59 = tpu.memref_squeeze %dma_start3A_58 : memref<1x128xi32, #tpu.memory_space<vmem>> -> memref<128xi32, #tpu.memory_space<vmem>>
    %dma_start3A_60 = arith.constant 0 : i32
    %dma_start3A_61 = tpu.memref_slice %arg2[%dma_start3A_60] : memref<1015808xf32, #tpu.memory_space<hbm>> -> memref<1015808xf32, #tpu.memory_space<hbm>>
    tpu.enqueue_indirect_dma source(%dma_start3A_61 : memref<1015808xf32, #tpu.memory_space<hbm>>) target(%dma_start3A_56 : memref<128xf32, #tpu.memory_space<vmem>>) offsets(%dma_start3A_59 : memref<128xi32, #tpu.memory_space<vmem>>) semaphore(%arg10 : memref<!tpu.dma_semaphore, #tpu.memory_space<semaphore_mem>>)
    %dma_start3A_62 = arith.constant 1 : i32
    %dma_start3A_63 = arith.constant 1 : i32
    %dma_start3A_64 = arith.constant 256 : i32
    %dma_start3A_65 = tpu.memref_slice %arg7[%dma_start3A_63, %dma_start3A_64] : memref<50x512xf32, #tpu.memory_space<vmem>> -> memref<1x128xf32, #tpu.memory_space<vmem>>
    %dma_start3A_66 = tpu.memref_squeeze %dma_start3A_65 : memref<1x128xf32, #tpu.memory_space<vmem>> -> memref<128xf32, #tpu.memory_space<vmem>>
    %dma_start3A_67 = arith.constant 256 : i32
    %dma_start3A_68 = tpu.memref_slice %arg6[%dma_start3A_62, %dma_start3A_67] : memref<50x512xi32, #tpu.memory_space<vmem>> -> memref<1x128xi32, #tpu.memory_space<vmem>>
    %dma_start3A_69 = tpu.memref_squeeze %dma_start3A_68 : memref<1x128xi32, #tpu.memory_space<vmem>> -> memref<128xi32, #tpu.memory_space<vmem>>
    %dma_start3A_70 = arith.constant 0 : i32
    %dma_start3A_71 = tpu.memref_slice %arg2[%dma_start3A_70] : memref<1015808xf32, #tpu.memory_space<hbm>> -> memref<1015808xf32, #tpu.memory_space<hbm>>
    tpu.enqueue_indirect_dma source(%dma_start3A_71 : memref<1015808xf32, #tpu.memory_space<hbm>>) target(%dma_start3A_66 : memref<128xf32, #tpu.memory_space<vmem>>) offsets(%dma_start3A_69 : memref<128xi32, #tpu.memory_space<vmem>>) semaphore(%arg10 : memref<!tpu.dma_semaphore, #tpu.memory_space<semaphore_mem>>)
    %dma_start3A_72 = arith.constant 1 : i32
    %dma_start3A_73 = arith.constant 1 : i32
    %dma_start3A_74 = arith.constant 384 : i32
    %dma_start3A_75 = tpu.memref_slice %arg7[%dma_start3A_73, %dma_start3A_74] : memref<50x512xf32, #tpu.memory_space<vmem>> -> memref<1x128xf32, #tpu.memory_space<vmem>>
    %dma_start3A_76 = tpu.memref_squeeze %dma_start3A_75 : memref<1x128xf32, #tpu.memory_space<vmem>> -> memref<128xf32, #tpu.memory_space<vmem>>
    %dma_start3A_77 = arith.constant 384 : i32
    %dma_start3A_78 = tpu.memref_slice %arg6[%dma_start3A_72, %dma_start3A_77] : memref<50x512xi32, #tpu.memory_space<vmem>> -> memref<1x128xi32, #tpu.memory_space<vmem>>
    %dma_start3A_79 = tpu.memref_squeeze %dma_start3A_78 : memref<1x128xi32, #tpu.memory_space<vmem>> -> memref<128xi32, #tpu.memory_space<vmem>>
    %dma_start3A_80 = arith.constant 0 : i32
    %dma_start3A_81 = tpu.memref_slice %arg2[%dma_start3A_80] : memref<1015808xf32, #tpu.memory_space<hbm>> -> memref<1015808xf32, #tpu.memory_space<hbm>>
    tpu.enqueue_indirect_dma source(%dma_start3A_81 : memref<1015808xf32, #tpu.memory_space<hbm>>) target(%dma_start3A_76 : memref<128xf32, #tpu.memory_space<vmem>>) offsets(%dma_start3A_79 : memref<128xi32, #tpu.memory_space<vmem>>) semaphore(%arg10 : memref<!tpu.dma_semaphore, #tpu.memory_space<semaphore_mem>>)
    %dma_start3A_82 = arith.constant 2 : i32
    %dma_start3A_83 = arith.constant 2 : i32
    %dma_start3A_84 = arith.constant 0 : i32
    %dma_start3A_85 = tpu.memref_slice %arg7[%dma_start3A_83, %dma_start3A_84] : memref<50x512xf32, #tpu.memory_space<vmem>> -> memref<1x128xf32, #tpu.memory_space<vmem>>
    %dma_start3A_86 = tpu.memref_squeeze %dma_start3A_85 : memref<1x128xf32, #tpu.memory_space<vmem>> -> memref<128xf32, #tpu.memory_space<vmem>>
    %dma_start3A_87 = arith.constant 0 : i32
    %dma_start3A_88 = tpu.memref_slice %arg6[%dma_start3A_82, %dma_start3A_87] : memref<50x512xi32, #tpu.memory_space<vmem>> -> memref<1x128xi32, #tpu.memory_space<vmem>>
    %dma_start3A_89 = tpu.memref_squeeze %dma_start3A_88 : memref<1x128xi32, #tpu.memory_space<vmem>> -> memref<128xi32, #tpu.memory_space<vmem>>
    %dma_start3A_90 = arith.constant 0 : i32
    %dma_start3A_91 = tpu.memref_slice %arg2[%dma_start3A_90] : memref<1015808xf32, #tpu.memory_space<hbm>> -> memref<1015808xf32, #tpu.memory_space<hbm>>
    tpu.enqueue_indirect_dma source(%dma_start3A_91 : memref<1015808xf32, #tpu.memory_space<hbm>>) target(%dma_start3A_86 : memref<128xf32, #tpu.memory_space<vmem>>) offsets(%dma_start3A_89 : memref<128xi32, #tpu.memory_space<vmem>>) semaphore(%arg10 : memref<!tpu.dma_semaphore, #tpu.memory_space<semaphore_mem>>)
    %dma_start3A_92 = arith.constant 2 : i32
    %dma_start3A_93 = arith.constant 2 : i32
    %dma_start3A_94 = arith.constant 128 : i32
    %dma_start3A_95 = tpu.memref_slice %arg7[%dma_start3A_93, %dma_start3A_94] : memref<50x512xf32, #tpu.memory_space<vmem>> -> memref<1x128xf32, #tpu.memory_space<vmem>>
    %dma_start3A_96 = tpu.memref_squeeze %dma_start3A_95 : memref<1x128xf32, #tpu.memory_space<vmem>> -> memref<128xf32, #tpu.memory_space<vmem>>
    %dma_start3A_97 = arith.constant 128 : i32
    %dma_start3A_98 = tpu.memref_slice %arg6[%dma_start3A_92, %dma_start3A_97] : memref<50x512xi32, #tpu.memory_space<vmem>> -> memref<1x128xi32, #tpu.memory_space<vmem>>
    %dma_start3A_99 = tpu.memref_squeeze %dma_start3A_98 : memref<1x128xi32, #tpu.memory_space<vmem>> -> memref<128xi32, #tpu.memory_space<vmem>>
    %dma_start3A_100 = arith.constant 0 : i32
    %dma_start3A_101 = tpu.memref_slice %arg2[%dma_start3A_100] : memref<1015808xf32, #tpu.memory_space<hbm>> -> memref<1015808xf32, #tpu.memory_space<hbm>>
    tpu.enqueue_indirect_dma source(%dma_start3A_101 : memref<1015808xf32, #tpu.memory_space<hbm>>) target(%dma_start3A_96 : memref<128xf32, #tpu.memory_space<vmem>>) offsets(%dma_start3A_99 : memref<128xi32, #tpu.memory_space<vmem>>) semaphore(%arg10 : memref<!tpu.dma_semaphore, #tpu.memory_space<semaphore_mem>>)
    %dma_start3A_102 = arith.constant 2 : i32
    %dma_start3A_103 = arith.constant 2 : i32
    %dma_start3A_104 = arith.constant 256 : i32
    %dma_start3A_105 = tpu.memref_slice %arg7[%dma_start3A_103, %dma_start3A_104] : memref<50x512xf32, #tpu.memory_space<vmem>> -> memref<1x128xf32, #tpu.memory_space<vmem>>
    %dma_start3A_106 = tpu.memref_squeeze %dma_start3A_105 : memref<1x128xf32, #tpu.memory_space<vmem>> -> memref<128xf32, #tpu.memory_space<vmem>>
    %dma_start3A_107 = arith.constant 256 : i32
    %dma_start3A_108 = tpu.memref_slice %arg6[%dma_start3A_102, %dma_start3A_107] : memref<50x512xi32, #tpu.memory_space<vmem>> -> memref<1x128xi32, #tpu.memory_space<vmem>>
    %dma_start3A_109 = tpu.memref_squeeze %dma_start3A_108 : memref<1x128xi32, #tpu.memory_space<vmem>> -> memref<128xi32, #tpu.memory_space<vmem>>
    %dma_start3A_110 = arith.constant 0 : i32
    %dma_start3A_111 = tpu.memref_slice %arg2[%dma_start3A_110] : memref<1015808xf32, #tpu.memory_space<hbm>> -> memref<1015808xf32, #tpu.memory_space<hbm>>
    tpu.enqueue_indirect_dma source(%dma_start3A_111 : memref<1015808xf32, #tpu.memory_space<hbm>>) target(%dma_start3A_106 : memref<128xf32, #tpu.memory_space<vmem>>) offsets(%dma_start3A_109 : memref<128xi32, #tpu.memory_space<vmem>>) semaphore(%arg10 : memref<!tpu.dma_semaphore, #tpu.memory_space<semaphore_mem>>)
    %dma_start3A_112 = arith.constant 2 : i32
    %dma_start3A_113 = arith.constant 2 : i32
    %dma_start3A_114 = arith.constant 384 : i32
    %dma_start3A_115 = tpu.memref_slice %arg7[%dma_start3A_113, %dma_start3A_114] : memref<50x512xf32, #tpu.memory_space<vmem>> -> memref<1x128xf32, #tpu.memory_space<vmem>>
    %dma_start3A_116 = tpu.memref_squeeze %dma_start3A_115 : memref<1x128xf32, #tpu.memory_space<vmem>> -> memref<128xf32, #tpu.memory_space<vmem>>
    %dma_start3A_117 = arith.constant 384 : i32
    %dma_start3A_118 = tpu.memref_slice %arg6[%dma_start3A_112, %dma_start3A_117] : memref<50x512xi32, #tpu.memory_space<vmem>> -> memref<1x128xi32, #tpu.memory_space<vmem>>
    %dma_start3A_119 = tpu.memref_squeeze %dma_start3A_118 : memref<1x128xi32, #tpu.memory_space<vmem>> -> memref<128xi32, #tpu.memory_space<vmem>>
    %dma_start3A_120 = arith.constant 0 : i32
    %dma_start3A_121 = tpu.memref_slice %arg2[%dma_start3A_120] : memref<1015808xf32, #tpu.memory_space<hbm>> -> memref<1015808xf32, #tpu.memory_space<hbm>>
    tpu.enqueue_indirect_dma source(%dma_start3A_121 : memref<1015808xf32, #tpu.memory_space<hbm>>) target(%dma_start3A_116 : memref<128xf32, #tpu.memory_space<vmem>>) offsets(%dma_start3A_119 : memref<128xi32, #tpu.memory_space<vmem>>) semaphore(%arg10 : memref<!tpu.dma_semaphore, #tpu.memory_space<semaphore_mem>>)
    %scan3A = arith.constant 0 : i32
    %scan3A_122 = arith.constant 3 : i32
    %scan3A_123 = arith.constant 47 : i32
    %scan3A_124 = arith.addi %scan3A_122, %scan3A_123 : i32
    %scan3A_125 = arith.constant 1 : i32
    scf.for %scan3A_252 = %scan3A_122 to %scan3A_124 step %scan3A_125  : i32 {
      %dma_start3A_253 = arith.constant 0 : i32
      %dma_start3A_254 = tpu.memref_slice %arg7[%scan3A_252, %dma_start3A_253] : memref<50x512xf32, #tpu.memory_space<vmem>> -> memref<1x128xf32, #tpu.memory_space<vmem>>
      %dma_start3A_255 = tpu.memref_squeeze %dma_start3A_254 : memref<1x128xf32, #tpu.memory_space<vmem>> -> memref<128xf32, #tpu.memory_space<vmem>>
      %dma_start3A_256 = arith.constant 0 : i32
      %dma_start3A_257 = tpu.memref_slice %arg6[%scan3A_252, %dma_start3A_256] : memref<50x512xi32, #tpu.memory_space<vmem>> -> memref<1x128xi32, #tpu.memory_space<vmem>>
      %dma_start3A_258 = tpu.memref_squeeze %dma_start3A_257 : memref<1x128xi32, #tpu.memory_space<vmem>> -> memref<128xi32, #tpu.memory_space<vmem>>
      %dma_start3A_259 = arith.constant 0 : i32
      %dma_start3A_260 = tpu.memref_slice %arg2[%dma_start3A_259] : memref<1015808xf32, #tpu.memory_space<hbm>> -> memref<1015808xf32, #tpu.memory_space<hbm>>
      tpu.enqueue_indirect_dma source(%dma_start3A_260 : memref<1015808xf32, #tpu.memory_space<hbm>>) target(%dma_start3A_255 : memref<128xf32, #tpu.memory_space<vmem>>) offsets(%dma_start3A_258 : memref<128xi32, #tpu.memory_space<vmem>>) semaphore(%arg10 : memref<!tpu.dma_semaphore, #tpu.memory_space<semaphore_mem>>)
      %dma_start3A_261 = arith.constant 128 : i32
      %dma_start3A_262 = tpu.memref_slice %arg7[%scan3A_252, %dma_start3A_261] : memref<50x512xf32, #tpu.memory_space<vmem>> -> memref<1x128xf32, #tpu.memory_space<vmem>>
      %dma_start3A_263 = tpu.memref_squeeze %dma_start3A_262 : memref<1x128xf32, #tpu.memory_space<vmem>> -> memref<128xf32, #tpu.memory_space<vmem>>
      %dma_start3A_264 = arith.constant 128 : i32
      %dma_start3A_265 = tpu.memref_slice %arg6[%scan3A_252, %dma_start3A_264] : memref<50x512xi32, #tpu.memory_space<vmem>> -> memref<1x128xi32, #tpu.memory_space<vmem>>
      %dma_start3A_266 = tpu.memref_squeeze %dma_start3A_265 : memref<1x128xi32, #tpu.memory_space<vmem>> -> memref<128xi32, #tpu.memory_space<vmem>>
      %dma_start3A_267 = arith.constant 0 : i32
      %dma_start3A_268 = tpu.memref_slice %arg2[%dma_start3A_267] : memref<1015808xf32, #tpu.memory_space<hbm>> -> memref<1015808xf32, #tpu.memory_space<hbm>>
      tpu.enqueue_indirect_dma source(%dma_start3A_268 : memref<1015808xf32, #tpu.memory_space<hbm>>) target(%dma_start3A_263 : memref<128xf32, #tpu.memory_space<vmem>>) offsets(%dma_start3A_266 : memref<128xi32, #tpu.memory_space<vmem>>) semaphore(%arg10 : memref<!tpu.dma_semaphore, #tpu.memory_space<semaphore_mem>>)
      %dma_start3A_269 = arith.constant 256 : i32
      %dma_start3A_270 = tpu.memref_slice %arg7[%scan3A_252, %dma_start3A_269] : memref<50x512xf32, #tpu.memory_space<vmem>> -> memref<1x128xf32, #tpu.memory_space<vmem>>
      %dma_start3A_271 = tpu.memref_squeeze %dma_start3A_270 : memref<1x128xf32, #tpu.memory_space<vmem>> -> memref<128xf32, #tpu.memory_space<vmem>>
      %dma_start3A_272 = arith.constant 256 : i32
      %dma_start3A_273 = tpu.memref_slice %arg6[%scan3A_252, %dma_start3A_272] : memref<50x512xi32, #tpu.memory_space<vmem>> -> memref<1x128xi32, #tpu.memory_space<vmem>>
      %dma_start3A_274 = tpu.memref_squeeze %dma_start3A_273 : memref<1x128xi32, #tpu.memory_space<vmem>> -> memref<128xi32, #tpu.memory_space<vmem>>
      %dma_start3A_275 = arith.constant 0 : i32
      %dma_start3A_276 = tpu.memref_slice %arg2[%dma_start3A_275] : memref<1015808xf32, #tpu.memory_space<hbm>> -> memref<1015808xf32, #tpu.memory_space<hbm>>
      tpu.enqueue_indirect_dma source(%dma_start3A_276 : memref<1015808xf32, #tpu.memory_space<hbm>>) target(%dma_start3A_271 : memref<128xf32, #tpu.memory_space<vmem>>) offsets(%dma_start3A_274 : memref<128xi32, #tpu.memory_space<vmem>>) semaphore(%arg10 : memref<!tpu.dma_semaphore, #tpu.memory_space<semaphore_mem>>)
      %dma_start3A_277 = arith.constant 384 : i32
      %dma_start3A_278 = tpu.memref_slice %arg7[%scan3A_252, %dma_start3A_277] : memref<50x512xf32, #tpu.memory_space<vmem>> -> memref<1x128xf32, #tpu.memory_space<vmem>>
      %dma_start3A_279 = tpu.memref_squeeze %dma_start3A_278 : memref<1x128xf32, #tpu.memory_space<vmem>> -> memref<128xf32, #tpu.memory_space<vmem>>
      %dma_start3A_280 = arith.constant 384 : i32
      %dma_start3A_281 = tpu.memref_slice %arg6[%scan3A_252, %dma_start3A_280] : memref<50x512xi32, #tpu.memory_space<vmem>> -> memref<1x128xi32, #tpu.memory_space<vmem>>
      %dma_start3A_282 = tpu.memref_squeeze %dma_start3A_281 : memref<1x128xi32, #tpu.memory_space<vmem>> -> memref<128xi32, #tpu.memory_space<vmem>>
      %dma_start3A_283 = arith.constant 0 : i32
      %dma_start3A_284 = tpu.memref_slice %arg2[%dma_start3A_283] : memref<1015808xf32, #tpu.memory_space<hbm>> -> memref<1015808xf32, #tpu.memory_space<hbm>>
      tpu.enqueue_indirect_dma source(%dma_start3A_284 : memref<1015808xf32, #tpu.memory_space<hbm>>) target(%dma_start3A_279 : memref<128xf32, #tpu.memory_space<vmem>>) offsets(%dma_start3A_282 : memref<128xi32, #tpu.memory_space<vmem>>) semaphore(%arg10 : memref<!tpu.dma_semaphore, #tpu.memory_space<semaphore_mem>>)
      %sub3A = arith.constant 3 : i32
      %sub3A_285 = arith.subi %scan3A_252, %sub3A : i32
      %dma_wait3A_286 = arith.constant 0 : i32
      %dma_wait3A_287 = tpu.memref_slice %arg7[%sub3A_285, %dma_wait3A_286] : memref<50x512xf32, #tpu.memory_space<vmem>> -> memref<1x128xf32, #tpu.memory_space<vmem>>
      %dma_wait3A_288 = tpu.memref_squeeze %dma_wait3A_287 : memref<1x128xf32, #tpu.memory_space<vmem>> -> memref<128xf32, #tpu.memory_space<vmem>>
      %dma_wait3A_289 = arith.constant 0 : i32
      %dma_wait3A_290 = tpu.memref_slice %arg6[%sub3A_285, %dma_wait3A_289] : memref<50x512xi32, #tpu.memory_space<vmem>> -> memref<1x128xi32, #tpu.memory_space<vmem>>
      %dma_wait3A_291 = tpu.memref_squeeze %dma_wait3A_290 : memref<1x128xi32, #tpu.memory_space<vmem>> -> memref<128xi32, #tpu.memory_space<vmem>>
      %dma_wait3A_292 = arith.constant 0 : i32
      %dma_wait3A_293 = tpu.memref_slice %arg2[%dma_wait3A_292] : memref<1015808xf32, #tpu.memory_space<hbm>> -> memref<1015808xf32, #tpu.memory_space<hbm>>
      tpu.wait_indirect_dma semaphore(%arg10 : memref<!tpu.dma_semaphore, #tpu.memory_space<semaphore_mem>>) src(%dma_wait3A_293 : memref<1015808xf32, #tpu.memory_space<hbm>>) dst(%dma_wait3A_288 : memref<128xf32, #tpu.memory_space<vmem>>)
      %dma_wait3A_294 = arith.constant 128 : i32
      %dma_wait3A_295 = tpu.memref_slice %arg7[%sub3A_285, %dma_wait3A_294] : memref<50x512xf32, #tpu.memory_space<vmem>> -> memref<1x128xf32, #tpu.memory_space<vmem>>
      %dma_wait3A_296 = tpu.memref_squeeze %dma_wait3A_295 : memref<1x128xf32, #tpu.memory_space<vmem>> -> memref<128xf32, #tpu.memory_space<vmem>>
      %dma_wait3A_297 = arith.constant 128 : i32
      %dma_wait3A_298 = tpu.memref_slice %arg6[%sub3A_285, %dma_wait3A_297] : memref<50x512xi32, #tpu.memory_space<vmem>> -> memref<1x128xi32, #tpu.memory_space<vmem>>
      %dma_wait3A_299 = tpu.memref_squeeze %dma_wait3A_298 : memref<1x128xi32, #tpu.memory_space<vmem>> -> memref<128xi32, #tpu.memory_space<vmem>>
      %dma_wait3A_300 = arith.constant 0 : i32
      %dma_wait3A_301 = tpu.memref_slice %arg2[%dma_wait3A_300] : memref<1015808xf32, #tpu.memory_space<hbm>> -> memref<1015808xf32, #tpu.memory_space<hbm>>
      tpu.wait_indirect_dma semaphore(%arg10 : memref<!tpu.dma_semaphore, #tpu.memory_space<semaphore_mem>>) src(%dma_wait3A_301 : memref<1015808xf32, #tpu.memory_space<hbm>>) dst(%dma_wait3A_296 : memref<128xf32, #tpu.memory_space<vmem>>)
      %dma_wait3A_302 = arith.constant 256 : i32
      %dma_wait3A_303 = tpu.memref_slice %arg7[%sub3A_285, %dma_wait3A_302] : memref<50x512xf32, #tpu.memory_space<vmem>> -> memref<1x128xf32, #tpu.memory_space<vmem>>
      %dma_wait3A_304 = tpu.memref_squeeze %dma_wait3A_303 : memref<1x128xf32, #tpu.memory_space<vmem>> -> memref<128xf32, #tpu.memory_space<vmem>>
      %dma_wait3A_305 = arith.constant 256 : i32
      %dma_wait3A_306 = tpu.memref_slice %arg6[%sub3A_285, %dma_wait3A_305] : memref<50x512xi32, #tpu.memory_space<vmem>> -> memref<1x128xi32, #tpu.memory_space<vmem>>
      %dma_wait3A_307 = tpu.memref_squeeze %dma_wait3A_306 : memref<1x128xi32, #tpu.memory_space<vmem>> -> memref<128xi32, #tpu.memory_space<vmem>>
      %dma_wait3A_308 = arith.constant 0 : i32
      %dma_wait3A_309 = tpu.memref_slice %arg2[%dma_wait3A_308] : memref<1015808xf32, #tpu.memory_space<hbm>> -> memref<1015808xf32, #tpu.memory_space<hbm>>
      tpu.wait_indirect_dma semaphore(%arg10 : memref<!tpu.dma_semaphore, #tpu.memory_space<semaphore_mem>>) src(%dma_wait3A_309 : memref<1015808xf32, #tpu.memory_space<hbm>>) dst(%dma_wait3A_304 : memref<128xf32, #tpu.memory_space<vmem>>)
      %dma_wait3A_310 = arith.constant 384 : i32
      %dma_wait3A_311 = tpu.memref_slice %arg7[%sub3A_285, %dma_wait3A_310] : memref<50x512xf32, #tpu.memory_space<vmem>> -> memref<1x128xf32, #tpu.memory_space<vmem>>
      %dma_wait3A_312 = tpu.memref_squeeze %dma_wait3A_311 : memref<1x128xf32, #tpu.memory_space<vmem>> -> memref<128xf32, #tpu.memory_space<vmem>>
      %dma_wait3A_313 = arith.constant 384 : i32
      %dma_wait3A_314 = tpu.memref_slice %arg6[%sub3A_285, %dma_wait3A_313] : memref<50x512xi32, #tpu.memory_space<vmem>> -> memref<1x128xi32, #tpu.memory_space<vmem>>
      %dma_wait3A_315 = tpu.memref_squeeze %dma_wait3A_314 : memref<1x128xi32, #tpu.memory_space<vmem>> -> memref<128xi32, #tpu.memory_space<vmem>>
      %dma_wait3A_316 = arith.constant 0 : i32
      %dma_wait3A_317 = tpu.memref_slice %arg2[%dma_wait3A_316] : memref<1015808xf32, #tpu.memory_space<hbm>> -> memref<1015808xf32, #tpu.memory_space<hbm>>
      tpu.wait_indirect_dma semaphore(%arg10 : memref<!tpu.dma_semaphore, #tpu.memory_space<semaphore_mem>>) src(%dma_wait3A_317 : memref<1015808xf32, #tpu.memory_space<hbm>>) dst(%dma_wait3A_312 : memref<128xf32, #tpu.memory_space<vmem>>)
    }
    %scan3A_126 = arith.constant 47 : i32
    %dma_wait3A = arith.constant 47 : i32
    %dma_wait3A_127 = arith.constant 47 : i32
    %dma_wait3A_128 = arith.constant 0 : i32
    %dma_wait3A_129 = tpu.memref_slice %arg7[%dma_wait3A_127, %dma_wait3A_128] : memref<50x512xf32, #tpu.memory_space<vmem>> -> memref<1x128xf32, #tpu.memory_space<vmem>>
    %dma_wait3A_130 = tpu.memref_squeeze %dma_wait3A_129 : memref<1x128xf32, #tpu.memory_space<vmem>> -> memref<128xf32, #tpu.memory_space<vmem>>
    %dma_wait3A_131 = arith.constant 0 : i32
    %dma_wait3A_132 = tpu.memref_slice %arg6[%dma_wait3A, %dma_wait3A_131] : memref<50x512xi32, #tpu.memory_space<vmem>> -> memref<1x128xi32, #tpu.memory_space<vmem>>
    %dma_wait3A_133 = tpu.memref_squeeze %dma_wait3A_132 : memref<1x128xi32, #tpu.memory_space<vmem>> -> memref<128xi32, #tpu.memory_space<vmem>>
    %dma_wait3A_134 = arith.constant 0 : i32
    %dma_wait3A_135 = tpu.memref_slice %arg2[%dma_wait3A_134] : memref<1015808xf32, #tpu.memory_space<hbm>> -> memref<1015808xf32, #tpu.memory_space<hbm>>
    tpu.wait_indirect_dma semaphore(%arg10 : memref<!tpu.dma_semaphore, #tpu.memory_space<semaphore_mem>>) src(%dma_wait3A_135 : memref<1015808xf32, #tpu.memory_space<hbm>>) dst(%dma_wait3A_130 : memref<128xf32, #tpu.memory_space<vmem>>)
    %dma_wait3A_136 = arith.constant 47 : i32
    %dma_wait3A_137 = arith.constant 47 : i32
    %dma_wait3A_138 = arith.constant 128 : i32
    %dma_wait3A_139 = tpu.memref_slice %arg7[%dma_wait3A_137, %dma_wait3A_138] : memref<50x512xf32, #tpu.memory_space<vmem>> -> memref<1x128xf32, #tpu.memory_space<vmem>>
    %dma_wait3A_140 = tpu.memref_squeeze %dma_wait3A_139 : memref<1x128xf32, #tpu.memory_space<vmem>> -> memref<128xf32, #tpu.memory_space<vmem>>
    %dma_wait3A_141 = arith.constant 128 : i32
    %dma_wait3A_142 = tpu.memref_slice %arg6[%dma_wait3A_136, %dma_wait3A_141] : memref<50x512xi32, #tpu.memory_space<vmem>> -> memref<1x128xi32, #tpu.memory_space<vmem>>
    %dma_wait3A_143 = tpu.memref_squeeze %dma_wait3A_142 : memref<1x128xi32, #tpu.memory_space<vmem>> -> memref<128xi32, #tpu.memory_space<vmem>>
    %dma_wait3A_144 = arith.constant 0 : i32
    %dma_wait3A_145 = tpu.memref_slice %arg2[%dma_wait3A_144] : memref<1015808xf32, #tpu.memory_space<hbm>> -> memref<1015808xf32, #tpu.memory_space<hbm>>
    tpu.wait_indirect_dma semaphore(%arg10 : memref<!tpu.dma_semaphore, #tpu.memory_space<semaphore_mem>>) src(%dma_wait3A_145 : memref<1015808xf32, #tpu.memory_space<hbm>>) dst(%dma_wait3A_140 : memref<128xf32, #tpu.memory_space<vmem>>)
    %dma_wait3A_146 = arith.constant 47 : i32
    %dma_wait3A_147 = arith.constant 47 : i32
    %dma_wait3A_148 = arith.constant 256 : i32
    %dma_wait3A_149 = tpu.memref_slice %arg7[%dma_wait3A_147, %dma_wait3A_148] : memref<50x512xf32, #tpu.memory_space<vmem>> -> memref<1x128xf32, #tpu.memory_space<vmem>>
    %dma_wait3A_150 = tpu.memref_squeeze %dma_wait3A_149 : memref<1x128xf32, #tpu.memory_space<vmem>> -> memref<128xf32, #tpu.memory_space<vmem>>
    %dma_wait3A_151 = arith.constant 256 : i32
    %dma_wait3A_152 = tpu.memref_slice %arg6[%dma_wait3A_146, %dma_wait3A_151] : memref<50x512xi32, #tpu.memory_space<vmem>> -> memref<1x128xi32, #tpu.memory_space<vmem>>
    %dma_wait3A_153 = tpu.memref_squeeze %dma_wait3A_152 : memref<1x128xi32, #tpu.memory_space<vmem>> -> memref<128xi32, #tpu.memory_space<vmem>>
    %dma_wait3A_154 = arith.constant 0 : i32
    %dma_wait3A_155 = tpu.memref_slice %arg2[%dma_wait3A_154] : memref<1015808xf32, #tpu.memory_space<hbm>> -> memref<1015808xf32, #tpu.memory_space<hbm>>
    tpu.wait_indirect_dma semaphore(%arg10 : memref<!tpu.dma_semaphore, #tpu.memory_space<semaphore_mem>>) src(%dma_wait3A_155 : memref<1015808xf32, #tpu.memory_space<hbm>>) dst(%dma_wait3A_150 : memref<128xf32, #tpu.memory_space<vmem>>)
    %dma_wait3A_156 = arith.constant 47 : i32
    %dma_wait3A_157 = arith.constant 47 : i32
    %dma_wait3A_158 = arith.constant 384 : i32
    %dma_wait3A_159 = tpu.memref_slice %arg7[%dma_wait3A_157, %dma_wait3A_158] : memref<50x512xf32, #tpu.memory_space<vmem>> -> memref<1x128xf32, #tpu.memory_space<vmem>>
    %dma_wait3A_160 = tpu.memref_squeeze %dma_wait3A_159 : memref<1x128xf32, #tpu.memory_space<vmem>> -> memref<128xf32, #tpu.memory_space<vmem>>
    %dma_wait3A_161 = arith.constant 384 : i32
    %dma_wait3A_162 = tpu.memref_slice %arg6[%dma_wait3A_156, %dma_wait3A_161] : memref<50x512xi32, #tpu.memory_space<vmem>> -> memref<1x128xi32, #tpu.memory_space<vmem>>
    %dma_wait3A_163 = tpu.memref_squeeze %dma_wait3A_162 : memref<1x128xi32, #tpu.memory_space<vmem>> -> memref<128xi32, #tpu.memory_space<vmem>>
    %dma_wait3A_164 = arith.constant 0 : i32
    %dma_wait3A_165 = tpu.memref_slice %arg2[%dma_wait3A_164] : memref<1015808xf32, #tpu.memory_space<hbm>> -> memref<1015808xf32, #tpu.memory_space<hbm>>
    tpu.wait_indirect_dma semaphore(%arg10 : memref<!tpu.dma_semaphore, #tpu.memory_space<semaphore_mem>>) src(%dma_wait3A_165 : memref<1015808xf32, #tpu.memory_space<hbm>>) dst(%dma_wait3A_160 : memref<128xf32, #tpu.memory_space<vmem>>)
    %dma_wait3A_166 = arith.constant 48 : i32
    %dma_wait3A_167 = arith.constant 48 : i32
    %dma_wait3A_168 = arith.constant 0 : i32
    %dma_wait3A_169 = tpu.memref_slice %arg7[%dma_wait3A_167, %dma_wait3A_168] : memref<50x512xf32, #tpu.memory_space<vmem>> -> memref<1x128xf32, #tpu.memory_space<vmem>>
    %dma_wait3A_170 = tpu.memref_squeeze %dma_wait3A_169 : memref<1x128xf32, #tpu.memory_space<vmem>> -> memref<128xf32, #tpu.memory_space<vmem>>
    %dma_wait3A_171 = arith.constant 0 : i32
    %dma_wait3A_172 = tpu.memref_slice %arg6[%dma_wait3A_166, %dma_wait3A_171] : memref<50x512xi32, #tpu.memory_space<vmem>> -> memref<1x128xi32, #tpu.memory_space<vmem>>
    %dma_wait3A_173 = tpu.memref_squeeze %dma_wait3A_172 : memref<1x128xi32, #tpu.memory_space<vmem>> -> memref<128xi32, #tpu.memory_space<vmem>>
    %dma_wait3A_174 = arith.constant 0 : i32
    %dma_wait3A_175 = tpu.memref_slice %arg2[%dma_wait3A_174] : memref<1015808xf32, #tpu.memory_space<hbm>> -> memref<1015808xf32, #tpu.memory_space<hbm>>
    tpu.wait_indirect_dma semaphore(%arg10 : memref<!tpu.dma_semaphore, #tpu.memory_space<semaphore_mem>>) src(%dma_wait3A_175 : memref<1015808xf32, #tpu.memory_space<hbm>>) dst(%dma_wait3A_170 : memref<128xf32, #tpu.memory_space<vmem>>)
    %dma_wait3A_176 = arith.constant 48 : i32
    %dma_wait3A_177 = arith.constant 48 : i32
    %dma_wait3A_178 = arith.constant 128 : i32
    %dma_wait3A_179 = tpu.memref_slice %arg7[%dma_wait3A_177, %dma_wait3A_178] : memref<50x512xf32, #tpu.memory_space<vmem>> -> memref<1x128xf32, #tpu.memory_space<vmem>>
    %dma_wait3A_180 = tpu.memref_squeeze %dma_wait3A_179 : memref<1x128xf32, #tpu.memory_space<vmem>> -> memref<128xf32, #tpu.memory_space<vmem>>
    %dma_wait3A_181 = arith.constant 128 : i32
    %dma_wait3A_182 = tpu.memref_slice %arg6[%dma_wait3A_176, %dma_wait3A_181] : memref<50x512xi32, #tpu.memory_space<vmem>> -> memref<1x128xi32, #tpu.memory_space<vmem>>
    %dma_wait3A_183 = tpu.memref_squeeze %dma_wait3A_182 : memref<1x128xi32, #tpu.memory_space<vmem>> -> memref<128xi32, #tpu.memory_space<vmem>>
    %dma_wait3A_184 = arith.constant 0 : i32
    %dma_wait3A_185 = tpu.memref_slice %arg2[%dma_wait3A_184] : memref<1015808xf32, #tpu.memory_space<hbm>> -> memref<1015808xf32, #tpu.memory_space<hbm>>
    tpu.wait_indirect_dma semaphore(%arg10 : memref<!tpu.dma_semaphore, #tpu.memory_space<semaphore_mem>>) src(%dma_wait3A_185 : memref<1015808xf32, #tpu.memory_space<hbm>>) dst(%dma_wait3A_180 : memref<128xf32, #tpu.memory_space<vmem>>)
    %dma_wait3A_186 = arith.constant 48 : i32
    %dma_wait3A_187 = arith.constant 48 : i32
    %dma_wait3A_188 = arith.constant 256 : i32
    %dma_wait3A_189 = tpu.memref_slice %arg7[%dma_wait3A_187, %dma_wait3A_188] : memref<50x512xf32, #tpu.memory_space<vmem>> -> memref<1x128xf32, #tpu.memory_space<vmem>>
    %dma_wait3A_190 = tpu.memref_squeeze %dma_wait3A_189 : memref<1x128xf32, #tpu.memory_space<vmem>> -> memref<128xf32, #tpu.memory_space<vmem>>
    %dma_wait3A_191 = arith.constant 256 : i32
    %dma_wait3A_192 = tpu.memref_slice %arg6[%dma_wait3A_186, %dma_wait3A_191] : memref<50x512xi32, #tpu.memory_space<vmem>> -> memref<1x128xi32, #tpu.memory_space<vmem>>
    %dma_wait3A_193 = tpu.memref_squeeze %dma_wait3A_192 : memref<1x128xi32, #tpu.memory_space<vmem>> -> memref<128xi32, #tpu.memory_space<vmem>>
    %dma_wait3A_194 = arith.constant 0 : i32
    %dma_wait3A_195 = tpu.memref_slice %arg2[%dma_wait3A_194] : memref<1015808xf32, #tpu.memory_space<hbm>> -> memref<1015808xf32, #tpu.memory_space<hbm>>
    tpu.wait_indirect_dma semaphore(%arg10 : memref<!tpu.dma_semaphore, #tpu.memory_space<semaphore_mem>>) src(%dma_wait3A_195 : memref<1015808xf32, #tpu.memory_space<hbm>>) dst(%dma_wait3A_190 : memref<128xf32, #tpu.memory_space<vmem>>)
    %dma_wait3A_196 = arith.constant 48 : i32
    %dma_wait3A_197 = arith.constant 48 : i32
    %dma_wait3A_198 = arith.constant 384 : i32
    %dma_wait3A_199 = tpu.memref_slice %arg7[%dma_wait3A_197, %dma_wait3A_198] : memref<50x512xf32, #tpu.memory_space<vmem>> -> memref<1x128xf32, #tpu.memory_space<vmem>>
    %dma_wait3A_200 = tpu.memref_squeeze %dma_wait3A_199 : memref<1x128xf32, #tpu.memory_space<vmem>> -> memref<128xf32, #tpu.memory_space<vmem>>
    %dma_wait3A_201 = arith.constant 384 : i32
    %dma_wait3A_202 = tpu.memref_slice %arg6[%dma_wait3A_196, %dma_wait3A_201] : memref<50x512xi32, #tpu.memory_space<vmem>> -> memref<1x128xi32, #tpu.memory_space<vmem>>
    %dma_wait3A_203 = tpu.memref_squeeze %dma_wait3A_202 : memref<1x128xi32, #tpu.memory_space<vmem>> -> memref<128xi32, #tpu.memory_space<vmem>>
    %dma_wait3A_204 = arith.constant 0 : i32
    %dma_wait3A_205 = tpu.memref_slice %arg2[%dma_wait3A_204] : memref<1015808xf32, #tpu.memory_space<hbm>> -> memref<1015808xf32, #tpu.memory_space<hbm>>
    tpu.wait_indirect_dma semaphore(%arg10 : memref<!tpu.dma_semaphore, #tpu.memory_space<semaphore_mem>>) src(%dma_wait3A_205 : memref<1015808xf32, #tpu.memory_space<hbm>>) dst(%dma_wait3A_200 : memref<128xf32, #tpu.memory_space<vmem>>)
    %dma_wait3A_206 = arith.constant 49 : i32
    %dma_wait3A_207 = arith.constant 49 : i32
    %dma_wait3A_208 = arith.constant 0 : i32
    %dma_wait3A_209 = tpu.memref_slice %arg7[%dma_wait3A_207, %dma_wait3A_208] : memref<50x512xf32, #tpu.memory_space<vmem>> -> memref<1x128xf32, #tpu.memory_space<vmem>>
    %dma_wait3A_210 = tpu.memref_squeeze %dma_wait3A_209 : memref<1x128xf32, #tpu.memory_space<vmem>> -> memref<128xf32, #tpu.memory_space<vmem>>
    %dma_wait3A_211 = arith.constant 0 : i32
    %dma_wait3A_212 = tpu.memref_slice %arg6[%dma_wait3A_206, %dma_wait3A_211] : memref<50x512xi32, #tpu.memory_space<vmem>> -> memref<1x128xi32, #tpu.memory_space<vmem>>
    %dma_wait3A_213 = tpu.memref_squeeze %dma_wait3A_212 : memref<1x128xi32, #tpu.memory_space<vmem>> -> memref<128xi32, #tpu.memory_space<vmem>>
    %dma_wait3A_214 = arith.constant 0 : i32
    %dma_wait3A_215 = tpu.memref_slice %arg2[%dma_wait3A_214] : memref<1015808xf32, #tpu.memory_space<hbm>> -> memref<1015808xf32, #tpu.memory_space<hbm>>
    tpu.wait_indirect_dma semaphore(%arg10 : memref<!tpu.dma_semaphore, #tpu.memory_space<semaphore_mem>>) src(%dma_wait3A_215 : memref<1015808xf32, #tpu.memory_space<hbm>>) dst(%dma_wait3A_210 : memref<128xf32, #tpu.memory_space<vmem>>)
    %dma_wait3A_216 = arith.constant 49 : i32
    %dma_wait3A_217 = arith.constant 49 : i32
    %dma_wait3A_218 = arith.constant 128 : i32
    %dma_wait3A_219 = tpu.memref_slice %arg7[%dma_wait3A_217, %dma_wait3A_218] : memref<50x512xf32, #tpu.memory_space<vmem>> -> memref<1x128xf32, #tpu.memory_space<vmem>>
    %dma_wait3A_220 = tpu.memref_squeeze %dma_wait3A_219 : memref<1x128xf32, #tpu.memory_space<vmem>> -> memref<128xf32, #tpu.memory_space<vmem>>
    %dma_wait3A_221 = arith.constant 128 : i32
    %dma_wait3A_222 = tpu.memref_slice %arg6[%dma_wait3A_216, %dma_wait3A_221] : memref<50x512xi32, #tpu.memory_space<vmem>> -> memref<1x128xi32, #tpu.memory_space<vmem>>
    %dma_wait3A_223 = tpu.memref_squeeze %dma_wait3A_222 : memref<1x128xi32, #tpu.memory_space<vmem>> -> memref<128xi32, #tpu.memory_space<vmem>>
    %dma_wait3A_224 = arith.constant 0 : i32
    %dma_wait3A_225 = tpu.memref_slice %arg2[%dma_wait3A_224] : memref<1015808xf32, #tpu.memory_space<hbm>> -> memref<1015808xf32, #tpu.memory_space<hbm>>
    tpu.wait_indirect_dma semaphore(%arg10 : memref<!tpu.dma_semaphore, #tpu.memory_space<semaphore_mem>>) src(%dma_wait3A_225 : memref<1015808xf32, #tpu.memory_space<hbm>>) dst(%dma_wait3A_220 : memref<128xf32, #tpu.memory_space<vmem>>)
    %dma_wait3A_226 = arith.constant 49 : i32
    %dma_wait3A_227 = arith.constant 49 : i32
    %dma_wait3A_228 = arith.constant 256 : i32
    %dma_wait3A_229 = tpu.memref_slice %arg7[%dma_wait3A_227, %dma_wait3A_228] : memref<50x512xf32, #tpu.memory_space<vmem>> -> memref<1x128xf32, #tpu.memory_space<vmem>>
    %dma_wait3A_230 = tpu.memref_squeeze %dma_wait3A_229 : memref<1x128xf32, #tpu.memory_space<vmem>> -> memref<128xf32, #tpu.memory_space<vmem>>
    %dma_wait3A_231 = arith.constant 256 : i32
    %dma_wait3A_232 = tpu.memref_slice %arg6[%dma_wait3A_226, %dma_wait3A_231] : memref<50x512xi32, #tpu.memory_space<vmem>> -> memref<1x128xi32, #tpu.memory_space<vmem>>
    %dma_wait3A_233 = tpu.memref_squeeze %dma_wait3A_232 : memref<1x128xi32, #tpu.memory_space<vmem>> -> memref<128xi32, #tpu.memory_space<vmem>>
    %dma_wait3A_234 = arith.constant 0 : i32
    %dma_wait3A_235 = tpu.memref_slice %arg2[%dma_wait3A_234] : memref<1015808xf32, #tpu.memory_space<hbm>> -> memref<1015808xf32, #tpu.memory_space<hbm>>
    tpu.wait_indirect_dma semaphore(%arg10 : memref<!tpu.dma_semaphore, #tpu.memory_space<semaphore_mem>>) src(%dma_wait3A_235 : memref<1015808xf32, #tpu.memory_space<hbm>>) dst(%dma_wait3A_230 : memref<128xf32, #tpu.memory_space<vmem>>)
    %dma_wait3A_236 = arith.constant 49 : i32
    %dma_wait3A_237 = arith.constant 49 : i32
    %dma_wait3A_238 = arith.constant 384 : i32
    %dma_wait3A_239 = tpu.memref_slice %arg7[%dma_wait3A_237, %dma_wait3A_238] : memref<50x512xf32, #tpu.memory_space<vmem>> -> memref<1x128xf32, #tpu.memory_space<vmem>>
    %dma_wait3A_240 = tpu.memref_squeeze %dma_wait3A_239 : memref<1x128xf32, #tpu.memory_space<vmem>> -> memref<128xf32, #tpu.memory_space<vmem>>
    %dma_wait3A_241 = arith.constant 384 : i32
    %dma_wait3A_242 = tpu.memref_slice %arg6[%dma_wait3A_236, %dma_wait3A_241] : memref<50x512xi32, #tpu.memory_space<vmem>> -> memref<1x128xi32, #tpu.memory_space<vmem>>
    %dma_wait3A_243 = tpu.memref_squeeze %dma_wait3A_242 : memref<1x128xi32, #tpu.memory_space<vmem>> -> memref<128xi32, #tpu.memory_space<vmem>>
    %dma_wait3A_244 = arith.constant 0 : i32
    %dma_wait3A_245 = tpu.memref_slice %arg2[%dma_wait3A_244] : memref<1015808xf32, #tpu.memory_space<hbm>> -> memref<1015808xf32, #tpu.memory_space<hbm>>
    tpu.wait_indirect_dma semaphore(%arg10 : memref<!tpu.dma_semaphore, #tpu.memory_space<semaphore_mem>>) src(%dma_wait3A_245 : memref<1015808xf32, #tpu.memory_space<hbm>>) dst(%dma_wait3A_240 : memref<128xf32, #tpu.memory_space<vmem>>)
    %scan3A_246 = arith.constant 0 : i32
    %scan3A_247 = arith.constant 0 : i32
    %scan3A_248 = arith.constant 32 : i32
    %scan3A_249 = arith.addi %scan3A_247, %scan3A_248 : i32
    %scan3A_250 = arith.constant 1 : i32
    scf.for %scan3A_252 = %scan3A_247 to %scan3A_249 step %scan3A_250  : i32 {
      %mul3A_253 = arith.constant 16 : i32
      %mul3A_254 = arith.muli %scan3A_252, %mul3A_253 : i32
      %get3A = arith.constant 0 : i32
      %get3A_255 = arith.index_cast %get3A : i32 to index
      %get3A_256 = arith.index_cast %mul3A_254 : i32 to index
      %get3A_257 = tpu.vector_load %arg7[%get3A_255, %get3A_256] {strides = array<i32>} : memref<50x512xf32, #tpu.memory_space<vmem>>, vector<1x16xf32>,
      %get3A_258 = vector.shape_cast %get3A_257 : vector<1x16xf32> to vector<16xf32>
      %get3A_259 = arith.constant 1 : i32
      %get3A_260 = arith.index_cast %get3A_259 : i32 to index
      %get3A_261 = arith.index_cast %mul3A_254 : i32 to index
      %get3A_262 = tpu.vector_load %arg7[%get3A_260, %get3A_261] {strides = array<i32>} : memref<50x512xf32, #tpu.memory_space<vmem>>, vector<1x16xf32>,
      %get3A_263 = vector.shape_cast %get3A_262 : vector<1x16xf32> to vector<16xf32>
      %add3A_264 = arith.addf %get3A_258, %get3A_263 : vector<16xf32>
      %get3A_265 = arith.constant 2 : i32
      %get3A_266 = arith.index_cast %get3A_265 : i32 to index
      %get3A_267 = arith.index_cast %mul3A_254 : i32 to index
      %get3A_268 = tpu.vector_load %arg7[%get3A_266, %get3A_267] {strides = array<i32>} : memref<50x512xf32, #tpu.memory_space<vmem>>, vector<1x16xf32>,
      %get3A_269 = vector.shape_cast %get3A_268 : vector<1x16xf32> to vector<16xf32>
      %add3A_270 = arith.addf %add3A_264, %get3A_269 : vector<16xf32>
      %get3A_271 = arith.constant 3 : i32
      %get3A_272 = arith.index_cast %get3A_271 : i32 to index
      %get3A_273 = arith.index_cast %mul3A_254 : i32 to index
      %get3A_274 = tpu.vector_load %arg7[%get3A_272, %get3A_273] {strides = array<i32>} : memref<50x512xf32, #tpu.memory_space<vmem>>, vector<1x16xf32>,
      %get3A_275 = vector.shape_cast %get3A_274 : vector<1x16xf32> to vector<16xf32>
      %add3A_276 = arith.addf %add3A_270, %get3A_275 : vector<16xf32>
      %get3A_277 = arith.constant 4 : i32
      %get3A_278 = arith.index_cast %get3A_277 : i32 to index
      %get3A_279 = arith.index_cast %mul3A_254 : i32 to index
      %get3A_280 = tpu.vector_load %arg7[%get3A_278, %get3A_279] {strides = array<i32>} : memref<50x512xf32, #tpu.memory_space<vmem>>, vector<1x16xf32>,
      %get3A_281 = vector.shape_cast %get3A_280 : vector<1x16xf32> to vector<16xf32>
      %add3A_282 = arith.addf %add3A_276, %get3A_281 : vector<16xf32>
      %get3A_283 = arith.constant 5 : i32
      %get3A_284 = arith.index_cast %get3A_283 : i32 to index
      %get3A_285 = arith.index_cast %mul3A_254 : i32 to index
      %get3A_286 = tpu.vector_load %arg7[%get3A_284, %get3A_285] {strides = array<i32>} : memref<50x512xf32, #tpu.memory_space<vmem>>, vector<1x16xf32>,
      %get3A_287 = vector.shape_cast %get3A_286 : vector<1x16xf32> to vector<16xf32>
      %add3A_288 = arith.addf %add3A_282, %get3A_287 : vector<16xf32>
      %get3A_289 = arith.constant 6 : i32
      %get3A_290 = arith.index_cast %get3A_289 : i32 to index
      %get3A_291 = arith.index_cast %mul3A_254 : i32 to index
      %get3A_292 = tpu.vector_load %arg7[%get3A_290, %get3A_291] {strides = array<i32>} : memref<50x512xf32, #tpu.memory_space<vmem>>, vector<1x16xf32>,
      %get3A_293 = vector.shape_cast %get3A_292 : vector<1x16xf32> to vector<16xf32>
      %add3A_294 = arith.addf %add3A_288, %get3A_293 : vector<16xf32>
      %get3A_295 = arith.constant 7 : i32
      %get3A_296 = arith.index_cast %get3A_295 : i32 to index
      %get3A_297 = arith.index_cast %mul3A_254 : i32 to index
      %get3A_298 = tpu.vector_load %arg7[%get3A_296, %get3A_297] {strides = array<i32>} : memref<50x512xf32, #tpu.memory_space<vmem>>, vector<1x16xf32>,
      %get3A_299 = vector.shape_cast %get3A_298 : vector<1x16xf32> to vector<16xf32>
      %add3A_300 = arith.addf %add3A_294, %get3A_299 : vector<16xf32>
      %get3A_301 = arith.constant 8 : i32
      %get3A_302 = arith.index_cast %get3A_301 : i32 to index
      %get3A_303 = arith.index_cast %mul3A_254 : i32 to index
      %get3A_304 = tpu.vector_load %arg7[%get3A_302, %get3A_303] {strides = array<i32>} : memref<50x512xf32, #tpu.memory_space<vmem>>, vector<1x16xf32>,
      %get3A_305 = vector.shape_cast %get3A_304 : vector<1x16xf32> to vector<16xf32>
      %add3A_306 = arith.addf %add3A_300, %get3A_305 : vector<16xf32>
      %get3A_307 = arith.constant 9 : i32
      %get3A_308 = arith.index_cast %get3A_307 : i32 to index
      %get3A_309 = arith.index_cast %mul3A_254 : i32 to index
      %get3A_310 = tpu.vector_load %arg7[%get3A_308, %get3A_309] {strides = array<i32>} : memref<50x512xf32, #tpu.memory_space<vmem>>, vector<1x16xf32>,
      %get3A_311 = vector.shape_cast %get3A_310 : vector<1x16xf32> to vector<16xf32>
      %add3A_312 = arith.addf %add3A_306, %get3A_311 : vector<16xf32>
      %get3A_313 = arith.constant 10 : i32
      %get3A_314 = arith.index_cast %get3A_313 : i32 to index
      %get3A_315 = arith.index_cast %mul3A_254 : i32 to index
      %get3A_316 = tpu.vector_load %arg7[%get3A_314, %get3A_315] {strides = array<i32>} : memref<50x512xf32, #tpu.memory_space<vmem>>, vector<1x16xf32>,
      %get3A_317 = vector.shape_cast %get3A_316 : vector<1x16xf32> to vector<16xf32>
      %add3A_318 = arith.addf %add3A_312, %get3A_317 : vector<16xf32>
      %get3A_319 = arith.constant 11 : i32
      %get3A_320 = arith.index_cast %get3A_319 : i32 to index
      %get3A_321 = arith.index_cast %mul3A_254 : i32 to index
      %get3A_322 = tpu.vector_load %arg7[%get3A_320, %get3A_321] {strides = array<i32>} : memref<50x512xf32, #tpu.memory_space<vmem>>, vector<1x16xf32>,
      %get3A_323 = vector.shape_cast %get3A_322 : vector<1x16xf32> to vector<16xf32>
      %add3A_324 = arith.addf %add3A_318, %get3A_323 : vector<16xf32>
      %get3A_325 = arith.constant 12 : i32
      %get3A_326 = arith.index_cast %get3A_325 : i32 to index
      %get3A_327 = arith.index_cast %mul3A_254 : i32 to index
      %get3A_328 = tpu.vector_load %arg7[%get3A_326, %get3A_327] {strides = array<i32>} : memref<50x512xf32, #tpu.memory_space<vmem>>, vector<1x16xf32>,
      %get3A_329 = vector.shape_cast %get3A_328 : vector<1x16xf32> to vector<16xf32>
      %add3A_330 = arith.addf %add3A_324, %get3A_329 : vector<16xf32>
      %get3A_331 = arith.constant 13 : i32
      %get3A_332 = arith.index_cast %get3A_331 : i32 to index
      %get3A_333 = arith.index_cast %mul3A_254 : i32 to index
      %get3A_334 = tpu.vector_load %arg7[%get3A_332, %get3A_333] {strides = array<i32>} : memref<50x512xf32, #tpu.memory_space<vmem>>, vector<1x16xf32>,
      %get3A_335 = vector.shape_cast %get3A_334 : vector<1x16xf32> to vector<16xf32>
      %add3A_336 = arith.addf %add3A_330, %get3A_335 : vector<16xf32>
      %get3A_337 = arith.constant 14 : i32
      %get3A_338 = arith.index_cast %get3A_337 : i32 to index
      %get3A_339 = arith.index_cast %mul3A_254 : i32 to index
      %get3A_340 = tpu.vector_load %arg7[%get3A_338, %get3A_339] {strides = array<i32>} : memref<50x512xf32, #tpu.memory_space<vmem>>, vector<1x16xf32>,
      %get3A_341 = vector.shape_cast %get3A_340 : vector<1x16xf32> to vector<16xf32>
      %add3A_342 = arith.addf %add3A_336, %get3A_341 : vector<16xf32>
      %get3A_343 = arith.constant 15 : i32
      %get3A_344 = arith.index_cast %get3A_343 : i32 to index
      %get3A_345 = arith.index_cast %mul3A_254 : i32 to index
      %get3A_346 = tpu.vector_load %arg7[%get3A_344, %get3A_345] {strides = array<i32>} : memref<50x512xf32, #tpu.memory_space<vmem>>, vector<1x16xf32>,
      %get3A_347 = vector.shape_cast %get3A_346 : vector<1x16xf32> to vector<16xf32>
      %add3A_348 = arith.addf %add3A_342, %get3A_347 : vector<16xf32>
      %get3A_349 = arith.constant 16 : i32
      %get3A_350 = arith.index_cast %get3A_349 : i32 to index
      %get3A_351 = arith.index_cast %mul3A_254 : i32 to index
      %get3A_352 = tpu.vector_load %arg7[%get3A_350, %get3A_351] {strides = array<i32>} : memref<50x512xf32, #tpu.memory_space<vmem>>, vector<1x16xf32>,
      %get3A_353 = vector.shape_cast %get3A_352 : vector<1x16xf32> to vector<16xf32>
      %add3A_354 = arith.addf %add3A_348, %get3A_353 : vector<16xf32>
      %get3A_355 = arith.constant 17 : i32
      %get3A_356 = arith.index_cast %get3A_355 : i32 to index
      %get3A_357 = arith.index_cast %mul3A_254 : i32 to index
      %get3A_358 = tpu.vector_load %arg7[%get3A_356, %get3A_357] {strides = array<i32>} : memref<50x512xf32, #tpu.memory_space<vmem>>, vector<1x16xf32>,
      %get3A_359 = vector.shape_cast %get3A_358 : vector<1x16xf32> to vector<16xf32>
      %add3A_360 = arith.addf %add3A_354, %get3A_359 : vector<16xf32>
      %get3A_361 = arith.constant 18 : i32
      %get3A_362 = arith.index_cast %get3A_361 : i32 to index
      %get3A_363 = arith.index_cast %mul3A_254 : i32 to index
      %get3A_364 = tpu.vector_load %arg7[%get3A_362, %get3A_363] {strides = array<i32>} : memref<50x512xf32, #tpu.memory_space<vmem>>, vector<1x16xf32>,
      %get3A_365 = vector.shape_cast %get3A_364 : vector<1x16xf32> to vector<16xf32>
      %add3A_366 = arith.addf %add3A_360, %get3A_365 : vector<16xf32>
      %get3A_367 = arith.constant 19 : i32
      %get3A_368 = arith.index_cast %get3A_367 : i32 to index
      %get3A_369 = arith.index_cast %mul3A_254 : i32 to index
      %get3A_370 = tpu.vector_load %arg7[%get3A_368, %get3A_369] {strides = array<i32>} : memref<50x512xf32, #tpu.memory_space<vmem>>, vector<1x16xf32>,
      %get3A_371 = vector.shape_cast %get3A_370 : vector<1x16xf32> to vector<16xf32>
      %add3A_372 = arith.addf %add3A_366, %get3A_371 : vector<16xf32>
      %get3A_373 = arith.constant 20 : i32
      %get3A_374 = arith.index_cast %get3A_373 : i32 to index
      %get3A_375 = arith.index_cast %mul3A_254 : i32 to index
      %get3A_376 = tpu.vector_load %arg7[%get3A_374, %get3A_375] {strides = array<i32>} : memref<50x512xf32, #tpu.memory_space<vmem>>, vector<1x16xf32>,
      %get3A_377 = vector.shape_cast %get3A_376 : vector<1x16xf32> to vector<16xf32>
      %add3A_378 = arith.addf %add3A_372, %get3A_377 : vector<16xf32>
      %get3A_379 = arith.constant 21 : i32
      %get3A_380 = arith.index_cast %get3A_379 : i32 to index
      %get3A_381 = arith.index_cast %mul3A_254 : i32 to index
      %get3A_382 = tpu.vector_load %arg7[%get3A_380, %get3A_381] {strides = array<i32>} : memref<50x512xf32, #tpu.memory_space<vmem>>, vector<1x16xf32>,
      %get3A_383 = vector.shape_cast %get3A_382 : vector<1x16xf32> to vector<16xf32>
      %add3A_384 = arith.addf %add3A_378, %get3A_383 : vector<16xf32>
      %get3A_385 = arith.constant 22 : i32
      %get3A_386 = arith.index_cast %get3A_385 : i32 to index
      %get3A_387 = arith.index_cast %mul3A_254 : i32 to index
      %get3A_388 = tpu.vector_load %arg7[%get3A_386, %get3A_387] {strides = array<i32>} : memref<50x512xf32, #tpu.memory_space<vmem>>, vector<1x16xf32>,
      %get3A_389 = vector.shape_cast %get3A_388 : vector<1x16xf32> to vector<16xf32>
      %add3A_390 = arith.addf %add3A_384, %get3A_389 : vector<16xf32>
      %get3A_391 = arith.constant 23 : i32
      %get3A_392 = arith.index_cast %get3A_391 : i32 to index
      %get3A_393 = arith.index_cast %mul3A_254 : i32 to index
      %get3A_394 = tpu.vector_load %arg7[%get3A_392, %get3A_393] {strides = array<i32>} : memref<50x512xf32, #tpu.memory_space<vmem>>, vector<1x16xf32>,
      %get3A_395 = vector.shape_cast %get3A_394 : vector<1x16xf32> to vector<16xf32>
      %add3A_396 = arith.addf %add3A_390, %get3A_395 : vector<16xf32>
      %get3A_397 = arith.constant 24 : i32
      %get3A_398 = arith.index_cast %get3A_397 : i32 to index
      %get3A_399 = arith.index_cast %mul3A_254 : i32 to index
      %get3A_400 = tpu.vector_load %arg7[%get3A_398, %get3A_399] {strides = array<i32>} : memref<50x512xf32, #tpu.memory_space<vmem>>, vector<1x16xf32>,
      %get3A_401 = vector.shape_cast %get3A_400 : vector<1x16xf32> to vector<16xf32>
      %add3A_402 = arith.addf %add3A_396, %get3A_401 : vector<16xf32>
      %get3A_403 = arith.constant 25 : i32
      %get3A_404 = arith.index_cast %get3A_403 : i32 to index
      %get3A_405 = arith.index_cast %mul3A_254 : i32 to index
      %get3A_406 = tpu.vector_load %arg7[%get3A_404, %get3A_405] {strides = array<i32>} : memref<50x512xf32, #tpu.memory_space<vmem>>, vector<1x16xf32>,
      %get3A_407 = vector.shape_cast %get3A_406 : vector<1x16xf32> to vector<16xf32>
      %add3A_408 = arith.addf %add3A_402, %get3A_407 : vector<16xf32>
      %get3A_409 = arith.constant 26 : i32
      %get3A_410 = arith.index_cast %get3A_409 : i32 to index
      %get3A_411 = arith.index_cast %mul3A_254 : i32 to index
      %get3A_412 = tpu.vector_load %arg7[%get3A_410, %get3A_411] {strides = array<i32>} : memref<50x512xf32, #tpu.memory_space<vmem>>, vector<1x16xf32>,
      %get3A_413 = vector.shape_cast %get3A_412 : vector<1x16xf32> to vector<16xf32>
      %add3A_414 = arith.addf %add3A_408, %get3A_413 : vector<16xf32>
      %get3A_415 = arith.constant 27 : i32
      %get3A_416 = arith.index_cast %get3A_415 : i32 to index
      %get3A_417 = arith.index_cast %mul3A_254 : i32 to index
      %get3A_418 = tpu.vector_load %arg7[%get3A_416, %get3A_417] {strides = array<i32>} : memref<50x512xf32, #tpu.memory_space<vmem>>, vector<1x16xf32>,
      %get3A_419 = vector.shape_cast %get3A_418 : vector<1x16xf32> to vector<16xf32>
      %add3A_420 = arith.addf %add3A_414, %get3A_419 : vector<16xf32>
      %get3A_421 = arith.constant 28 : i32
      %get3A_422 = arith.index_cast %get3A_421 : i32 to index
      %get3A_423 = arith.index_cast %mul3A_254 : i32 to index
      %get3A_424 = tpu.vector_load %arg7[%get3A_422, %get3A_423] {strides = array<i32>} : memref<50x512xf32, #tpu.memory_space<vmem>>, vector<1x16xf32>,
      %get3A_425 = vector.shape_cast %get3A_424 : vector<1x16xf32> to vector<16xf32>
      %add3A_426 = arith.addf %add3A_420, %get3A_425 : vector<16xf32>
      %get3A_427 = arith.constant 29 : i32
      %get3A_428 = arith.index_cast %get3A_427 : i32 to index
      %get3A_429 = arith.index_cast %mul3A_254 : i32 to index
      %get3A_430 = tpu.vector_load %arg7[%get3A_428, %get3A_429] {strides = array<i32>} : memref<50x512xf32, #tpu.memory_space<vmem>>, vector<1x16xf32>,
      %get3A_431 = vector.shape_cast %get3A_430 : vector<1x16xf32> to vector<16xf32>
      %add3A_432 = arith.addf %add3A_426, %get3A_431 : vector<16xf32>
      %get3A_433 = arith.constant 30 : i32
      %get3A_434 = arith.index_cast %get3A_433 : i32 to index
      %get3A_435 = arith.index_cast %mul3A_254 : i32 to index
      %get3A_436 = tpu.vector_load %arg7[%get3A_434, %get3A_435] {strides = array<i32>} : memref<50x512xf32, #tpu.memory_space<vmem>>, vector<1x16xf32>,
      %get3A_437 = vector.shape_cast %get3A_436 : vector<1x16xf32> to vector<16xf32>
      %add3A_438 = arith.addf %add3A_432, %get3A_437 : vector<16xf32>
      %get3A_439 = arith.constant 31 : i32
      %get3A_440 = arith.index_cast %get3A_439 : i32 to index
      %get3A_441 = arith.index_cast %mul3A_254 : i32 to index
      %get3A_442 = tpu.vector_load %arg7[%get3A_440, %get3A_441] {strides = array<i32>} : memref<50x512xf32, #tpu.memory_space<vmem>>, vector<1x16xf32>,
      %get3A_443 = vector.shape_cast %get3A_442 : vector<1x16xf32> to vector<16xf32>
      %add3A_444 = arith.addf %add3A_438, %get3A_443 : vector<16xf32>
      %get3A_445 = arith.constant 32 : i32
      %get3A_446 = arith.index_cast %get3A_445 : i32 to index
      %get3A_447 = arith.index_cast %mul3A_254 : i32 to index
      %get3A_448 = tpu.vector_load %arg7[%get3A_446, %get3A_447] {strides = array<i32>} : memref<50x512xf32, #tpu.memory_space<vmem>>, vector<1x16xf32>,
      %get3A_449 = vector.shape_cast %get3A_448 : vector<1x16xf32> to vector<16xf32>
      %add3A_450 = arith.addf %add3A_444, %get3A_449 : vector<16xf32>
      %get3A_451 = arith.constant 33 : i32
      %get3A_452 = arith.index_cast %get3A_451 : i32 to index
      %get3A_453 = arith.index_cast %mul3A_254 : i32 to index
      %get3A_454 = tpu.vector_load %arg7[%get3A_452, %get3A_453] {strides = array<i32>} : memref<50x512xf32, #tpu.memory_space<vmem>>, vector<1x16xf32>,
      %get3A_455 = vector.shape_cast %get3A_454 : vector<1x16xf32> to vector<16xf32>
      %add3A_456 = arith.addf %add3A_450, %get3A_455 : vector<16xf32>
      %get3A_457 = arith.constant 34 : i32
      %get3A_458 = arith.index_cast %get3A_457 : i32 to index
      %get3A_459 = arith.index_cast %mul3A_254 : i32 to index
      %get3A_460 = tpu.vector_load %arg7[%get3A_458, %get3A_459] {strides = array<i32>} : memref<50x512xf32, #tpu.memory_space<vmem>>, vector<1x16xf32>,
      %get3A_461 = vector.shape_cast %get3A_460 : vector<1x16xf32> to vector<16xf32>
      %add3A_462 = arith.addf %add3A_456, %get3A_461 : vector<16xf32>
      %get3A_463 = arith.constant 35 : i32
      %get3A_464 = arith.index_cast %get3A_463 : i32 to index
      %get3A_465 = arith.index_cast %mul3A_254 : i32 to index
      %get3A_466 = tpu.vector_load %arg7[%get3A_464, %get3A_465] {strides = array<i32>} : memref<50x512xf32, #tpu.memory_space<vmem>>, vector<1x16xf32>,
      %get3A_467 = vector.shape_cast %get3A_466 : vector<1x16xf32> to vector<16xf32>
      %add3A_468 = arith.addf %add3A_462, %get3A_467 : vector<16xf32>
      %get3A_469 = arith.constant 36 : i32
      %get3A_470 = arith.index_cast %get3A_469 : i32 to index
      %get3A_471 = arith.index_cast %mul3A_254 : i32 to index
      %get3A_472 = tpu.vector_load %arg7[%get3A_470, %get3A_471] {strides = array<i32>} : memref<50x512xf32, #tpu.memory_space<vmem>>, vector<1x16xf32>,
      %get3A_473 = vector.shape_cast %get3A_472 : vector<1x16xf32> to vector<16xf32>
      %add3A_474 = arith.addf %add3A_468, %get3A_473 : vector<16xf32>
      %get3A_475 = arith.constant 37 : i32
      %get3A_476 = arith.index_cast %get3A_475 : i32 to index
      %get3A_477 = arith.index_cast %mul3A_254 : i32 to index
      %get3A_478 = tpu.vector_load %arg7[%get3A_476, %get3A_477] {strides = array<i32>} : memref<50x512xf32, #tpu.memory_space<vmem>>, vector<1x16xf32>,
      %get3A_479 = vector.shape_cast %get3A_478 : vector<1x16xf32> to vector<16xf32>
      %add3A_480 = arith.addf %add3A_474, %get3A_479 : vector<16xf32>
      %get3A_481 = arith.constant 38 : i32
      %get3A_482 = arith.index_cast %get3A_481 : i32 to index
      %get3A_483 = arith.index_cast %mul3A_254 : i32 to index
      %get3A_484 = tpu.vector_load %arg7[%get3A_482, %get3A_483] {strides = array<i32>} : memref<50x512xf32, #tpu.memory_space<vmem>>, vector<1x16xf32>,
      %get3A_485 = vector.shape_cast %get3A_484 : vector<1x16xf32> to vector<16xf32>
      %add3A_486 = arith.addf %add3A_480, %get3A_485 : vector<16xf32>
      %get3A_487 = arith.constant 39 : i32
      %get3A_488 = arith.index_cast %get3A_487 : i32 to index
      %get3A_489 = arith.index_cast %mul3A_254 : i32 to index
      %get3A_490 = tpu.vector_load %arg7[%get3A_488, %get3A_489] {strides = array<i32>} : memref<50x512xf32, #tpu.memory_space<vmem>>, vector<1x16xf32>,
      %get3A_491 = vector.shape_cast %get3A_490 : vector<1x16xf32> to vector<16xf32>
      %add3A_492 = arith.addf %add3A_486, %get3A_491 : vector<16xf32>
      %get3A_493 = arith.constant 40 : i32
      %get3A_494 = arith.index_cast %get3A_493 : i32 to index
      %get3A_495 = arith.index_cast %mul3A_254 : i32 to index
      %get3A_496 = tpu.vector_load %arg7[%get3A_494, %get3A_495] {strides = array<i32>} : memref<50x512xf32, #tpu.memory_space<vmem>>, vector<1x16xf32>,
      %get3A_497 = vector.shape_cast %get3A_496 : vector<1x16xf32> to vector<16xf32>
      %add3A_498 = arith.addf %add3A_492, %get3A_497 : vector<16xf32>
      %get3A_499 = arith.constant 41 : i32
      %get3A_500 = arith.index_cast %get3A_499 : i32 to index
      %get3A_501 = arith.index_cast %mul3A_254 : i32 to index
      %get3A_502 = tpu.vector_load %arg7[%get3A_500, %get3A_501] {strides = array<i32>} : memref<50x512xf32, #tpu.memory_space<vmem>>, vector<1x16xf32>,
      %get3A_503 = vector.shape_cast %get3A_502 : vector<1x16xf32> to vector<16xf32>
      %add3A_504 = arith.addf %add3A_498, %get3A_503 : vector<16xf32>
      %get3A_505 = arith.constant 42 : i32
      %get3A_506 = arith.index_cast %get3A_505 : i32 to index
      %get3A_507 = arith.index_cast %mul3A_254 : i32 to index
      %get3A_508 = tpu.vector_load %arg7[%get3A_506, %get3A_507] {strides = array<i32>} : memref<50x512xf32, #tpu.memory_space<vmem>>, vector<1x16xf32>,
      %get3A_509 = vector.shape_cast %get3A_508 : vector<1x16xf32> to vector<16xf32>
      %add3A_510 = arith.addf %add3A_504, %get3A_509 : vector<16xf32>
      %get3A_511 = arith.constant 43 : i32
      %get3A_512 = arith.index_cast %get3A_511 : i32 to index
      %get3A_513 = arith.index_cast %mul3A_254 : i32 to index
      %get3A_514 = tpu.vector_load %arg7[%get3A_512, %get3A_513] {strides = array<i32>} : memref<50x512xf32, #tpu.memory_space<vmem>>, vector<1x16xf32>,
      %get3A_515 = vector.shape_cast %get3A_514 : vector<1x16xf32> to vector<16xf32>
      %add3A_516 = arith.addf %add3A_510, %get3A_515 : vector<16xf32>
      %get3A_517 = arith.constant 44 : i32
      %get3A_518 = arith.index_cast %get3A_517 : i32 to index
      %get3A_519 = arith.index_cast %mul3A_254 : i32 to index
      %get3A_520 = tpu.vector_load %arg7[%get3A_518, %get3A_519] {strides = array<i32>} : memref<50x512xf32, #tpu.memory_space<vmem>>, vector<1x16xf32>,
      %get3A_521 = vector.shape_cast %get3A_520 : vector<1x16xf32> to vector<16xf32>
      %add3A_522 = arith.addf %add3A_516, %get3A_521 : vector<16xf32>
      %get3A_523 = arith.constant 45 : i32
      %get3A_524 = arith.index_cast %get3A_523 : i32 to index
      %get3A_525 = arith.index_cast %mul3A_254 : i32 to index
      %get3A_526 = tpu.vector_load %arg7[%get3A_524, %get3A_525] {strides = array<i32>} : memref<50x512xf32, #tpu.memory_space<vmem>>, vector<1x16xf32>,
      %get3A_527 = vector.shape_cast %get3A_526 : vector<1x16xf32> to vector<16xf32>
      %add3A_528 = arith.addf %add3A_522, %get3A_527 : vector<16xf32>
      %get3A_529 = arith.constant 46 : i32
      %get3A_530 = arith.index_cast %get3A_529 : i32 to index
      %get3A_531 = arith.index_cast %mul3A_254 : i32 to index
      %get3A_532 = tpu.vector_load %arg7[%get3A_530, %get3A_531] {strides = array<i32>} : memref<50x512xf32, #tpu.memory_space<vmem>>, vector<1x16xf32>,
      %get3A_533 = vector.shape_cast %get3A_532 : vector<1x16xf32> to vector<16xf32>
      %add3A_534 = arith.addf %add3A_528, %get3A_533 : vector<16xf32>
      %get3A_535 = arith.constant 47 : i32
      %get3A_536 = arith.index_cast %get3A_535 : i32 to index
      %get3A_537 = arith.index_cast %mul3A_254 : i32 to index
      %get3A_538 = tpu.vector_load %arg7[%get3A_536, %get3A_537] {strides = array<i32>} : memref<50x512xf32, #tpu.memory_space<vmem>>, vector<1x16xf32>,
      %get3A_539 = vector.shape_cast %get3A_538 : vector<1x16xf32> to vector<16xf32>
      %add3A_540 = arith.addf %add3A_534, %get3A_539 : vector<16xf32>
      %get3A_541 = arith.constant 48 : i32
      %get3A_542 = arith.index_cast %get3A_541 : i32 to index
      %get3A_543 = arith.index_cast %mul3A_254 : i32 to index
      %get3A_544 = tpu.vector_load %arg7[%get3A_542, %get3A_543] {strides = array<i32>} : memref<50x512xf32, #tpu.memory_space<vmem>>, vector<1x16xf32>,
      %get3A_545 = vector.shape_cast %get3A_544 : vector<1x16xf32> to vector<16xf32>
      %add3A_546 = arith.addf %add3A_540, %get3A_545 : vector<16xf32>
      %get3A_547 = arith.constant 49 : i32
      %get3A_548 = arith.index_cast %get3A_547 : i32 to index
      %get3A_549 = arith.index_cast %mul3A_254 : i32 to index
      %get3A_550 = tpu.vector_load %arg7[%get3A_548, %get3A_549] {strides = array<i32>} : memref<50x512xf32, #tpu.memory_space<vmem>>, vector<1x16xf32>,
      %get3A_551 = vector.shape_cast %get3A_550 : vector<1x16xf32> to vector<16xf32>
      %add3A_552 = arith.addf %add3A_546, %get3A_551 : vector<16xf32>
      %mul3A_553 = arith.constant 2.000000e-02 : f32
      %mul3A_554 = vector.broadcast %mul3A_553 : f32 to vector<16xf32>
      %mul3A_555 = arith.mulf %add3A_552, %mul3A_554 : vector<16xf32>
      %get3A_556 = arith.index_cast %mul3A_254 : i32 to index
      %get3A_557 = tpu.vector_load %arg8[%get3A_556] {strides = array<i32>} : memref<512xf32, #tpu.memory_space<vmem>>, vector<16xf32>,
      %get3A_558 = vector.shape_cast %get3A_557 : vector<16xf32> to vector<16xf32>
      %add3A_559 = arith.addf %mul3A_555, %get3A_558 : vector<16xf32>
      %swap3A = arith.index_cast %mul3A_254 : i32 to index
      %swap3A_560 = tpu.vector_load %arg9[%swap3A] {strides = array<i32>} : memref<512xf32, #tpu.memory_space<vmem>>, vector<16xf32>,
      %swap3A_561 = vector.shape_cast %swap3A_560 : vector<16xf32> to vector<16xf32>
      %swap3A_562 = vector.shape_cast %add3A_559 : vector<16xf32> to vector<16xf32>
      tpu.vector_store %arg9[%swap3A], %swap3A_562 {strides = array<i32>} : memref<512xf32, #tpu.memory_space<vmem>>, vector<16xf32>,
    }
    %scan3A_251 = arith.constant 32 : i32
    "tpu.region"() ({
      %run_scoped3A = tpu.sem_alloc : memref<!tpu.dma_semaphore, #tpu.memory_space<semaphore_mem>>
      %dma_start3A_252 = tpu.memref_slice %arg5[%mul3A_2] : memref<16384xf32, #tpu.memory_space<hbm>> -> memref<512xf32, #tpu.memory_space<hbm>>
      %dma_start3A_253 = tpu.memref_slice %arg5[%mul3A_2] : memref<16384xf32, #tpu.memory_space<hbm>> -> memref<512xf32, #tpu.memory_space<hbm>>
      tpu.enqueue_dma source(%arg9 : memref<512xf32, #tpu.memory_space<vmem>>) target(%dma_start3A_253 : memref<512xf32, #tpu.memory_space<hbm>>) target_semaphore(%run_scoped3A : memref<!tpu.dma_semaphore, #tpu.memory_space<semaphore_mem>>)
      %dma_wait3A_254 = tpu.memref_slice %arg5[%mul3A_2] : memref<16384xf32, #tpu.memory_space<hbm>> -> memref<512xf32, #tpu.memory_space<hbm>>
      %dma_wait3A_255 = tpu.memref_slice %arg5[%mul3A_2] : memref<16384xf32, #tpu.memory_space<hbm>> -> memref<512xf32, #tpu.memory_space<hbm>>
      tpu.wait_dma2 semaphore(%run_scoped3A : memref<!tpu.dma_semaphore, #tpu.memory_space<semaphore_mem>>) src(%arg9 : memref<512xf32, #tpu.memory_space<vmem>>) dst(%dma_wait3A_255 : memref<512xf32, #tpu.memory_space<hbm>>)
      tpu.yield
    }) : () -> ()
    return
  }
}

module attributes {stable_mosaic.version = 14 : i64} {
  func.func @_ctx_body(%arg0: memref<16384xf32, #tpu.memory_space<vmem>>, %arg1: memref<16384xf32, #tpu.memory_space<vmem>>, %arg2: memref<16384xf32, #tpu.memory_space<vmem>>, %arg3: memref<1x4xf32, #tpu.memory_space<vmem>>, %arg4: memref<16384xf32, #tpu.memory_space<vmem>>) attributes {dimension_semantics = [], scalar_prefetch = 0 : i64, scratch_operands = 0 : i64, tpu.core_type = #tpu.core_type<tc>} {
    %get3A = arith.constant 0 : index
    %get3A_0 = vector.load %arg0[%get3A] : memref<16384xf32, #tpu.memory_space<vmem>>, vector<16384xf32>
    %get3A_1 = arith.constant 0 : index
    %get3A_2 = arith.constant 0 : index
    %get3A_3 = vector.load %arg3[%get3A_1, %get3A_2] : memref<1x4xf32, #tpu.memory_space<vmem>>, vector<1x1xf32>
    %get3A_4 = vector.extract %get3A_3[0, 0] : f32 from vector<1x1xf32>
    %mul3A = vector.broadcast %get3A_4 : f32 to vector<16384xf32>
    %mul3A_5 = arith.mulf %get3A_0, %mul3A : vector<16384xf32>
    %get3A_6 = arith.constant 0 : index
    %get3A_7 = vector.load %arg1[%get3A_6] : memref<16384xf32, #tpu.memory_space<vmem>>, vector<16384xf32>
    %get3A_8 = arith.constant 0 : index
    %get3A_9 = arith.constant 1 : index
    %get3A_10 = vector.load %arg3[%get3A_8, %get3A_9] : memref<1x4xf32, #tpu.memory_space<vmem>>, vector<1x1xf32>
    %get3A_11 = vector.extract %get3A_10[0, 0] : f32 from vector<1x1xf32>
    %mul3A_12 = vector.broadcast %get3A_11 : f32 to vector<16384xf32>
    %mul3A_13 = arith.mulf %get3A_7, %mul3A_12 : vector<16384xf32>
    %add3A = arith.addf %mul3A_5, %mul3A_13 : vector<16384xf32>
    %get3A_14 = arith.constant 0 : index
    %get3A_15 = vector.load %arg2[%get3A_14] : memref<16384xf32, #tpu.memory_space<vmem>>, vector<16384xf32>
    %get3A_16 = arith.constant 0 : index
    %get3A_17 = arith.constant 2 : index
    %get3A_18 = vector.load %arg3[%get3A_16, %get3A_17] : memref<1x4xf32, #tpu.memory_space<vmem>>, vector<1x1xf32>
    %get3A_19 = vector.extract %get3A_18[0, 0] : f32 from vector<1x1xf32>
    %mul3A_20 = vector.broadcast %get3A_19 : f32 to vector<16384xf32>
    %mul3A_21 = arith.mulf %get3A_15, %mul3A_20 : vector<16384xf32>
    %add3A_22 = arith.addf %add3A, %mul3A_21 : vector<16384xf32>
    %get3A_23 = arith.constant 0 : index
    %get3A_24 = arith.constant 3 : index
    %get3A_25 = vector.load %arg3[%get3A_23, %get3A_24] : memref<1x4xf32, #tpu.memory_space<vmem>>, vector<1x1xf32>
    %get3A_26 = vector.extract %get3A_25[0, 0] : f32 from vector<1x1xf32>
    %add3A_27 = vector.broadcast %get3A_26 : f32 to vector<16384xf32>
    %add3A_28 = arith.addf %add3A_22, %add3A_27 : vector<16384xf32>
    %swap3A = arith.constant 0 : index
    %swap3A_29 = vector.load %arg4[%swap3A] : memref<16384xf32, #tpu.memory_space<vmem>>, vector<16384xf32>
    tpu.vector_store %arg4[%swap3A], %add3A_28 {strides = array<i32>} : memref<16384xf32, #tpu.memory_space<vmem>>, vector<16384xf32>,
    return
  }
}

module attributes {stable_mosaic.version = 14 : i64} {
  func.func @_project_body(%arg0: i32, %arg1: memref<64x32768xf32, #tpu.memory_space<vmem>>, %arg2: memref<1x64xf32, #tpu.memory_space<vmem>>, %arg3: memref<1x32768xf32, #tpu.memory_space<vmem>>) attributes {dimension_semantics = [#tpu.dimension_semantics<arbitrary>], iteration_bounds = array<i64: 31>, scalar_prefetch = 0 : i64, scratch_operands = 0 : i64, tpu.core_type = #tpu.core_type<tc>, window_params = [{transform_indices = @transform_0, window_bounds = array<i64: 64, 32768>}, {pipeline_mode = #tpu.pipeline_mode<synchronous>, transform_indices = @transform_1, window_bounds = array<i64: 1, 64>}, {transform_indices = @transform_2, window_bounds = array<i64: 1, 32768>}]} {
    %get3A = arith.constant 0 : index
    %get3A_0 = arith.constant 0 : index
    %get3A_1 = vector.load %arg2[%get3A, %get3A_0] : memref<1x64xf32, #tpu.memory_space<vmem>>, vector<1x64xf32>
    %get3A_2 = arith.constant 0 : index
    %get3A_3 = arith.constant 0 : index
    %get3A_4 = vector.load %arg1[%get3A_2, %get3A_3] : memref<64x32768xf32, #tpu.memory_space<vmem>>, vector<64x32768xf32>
    %dot_general3A = arith.constant dense<0.000000e+00> : vector<1x32768xf32>
    %dot_general3A_5 = tpu.matmul %get3A_1, %get3A_4, %dot_general3A {dimension_numbers = #tpu.dot_dimension_numbers<[1], [0], [0], [1], [0, 0, 1, 1], [], []>, transpose_lhs_hint = false} : vector<1x64xf32>, vector<64x32768xf32>, vector<1x32768xf32> -> vector<1x32768xf32>
    %swap3A = arith.constant 0 : index
    %swap3A_6 = arith.constant 0 : index
    %swap3A_7 = vector.load %arg3[%swap3A, %swap3A_6] : memref<1x32768xf32, #tpu.memory_space<vmem>>, vector<1x32768xf32>
    tpu.vector_store %arg3[%swap3A, %swap3A_6], %dot_general3A_5 {strides = array<i32>} : memref<1x32768xf32, #tpu.memory_space<vmem>>, vector<1x32768xf32>,
    return
  }
  func.func @transform_0(%arg0: i32) -> (i32, i32) {
    %c0_i32 = arith.constant 0 : i32
    %c0_i32_0 = arith.constant 0 : i32
    return %c0_i32, %arg0 : i32, i32
  }
  func.func @transform_1(%arg0: i32) -> (i32, i32) {
    %c0_i32 = arith.constant 0 : i32
    %c0_i32_0 = arith.constant 0 : i32
    %c0_i32_1 = arith.constant 0 : i32
    return %c0_i32, %c0_i32_0 : i32, i32
  }
  func.func @transform_2(%arg0: i32) -> (i32, i32) {
    %c0_i32 = arith.constant 0 : i32
    %c0_i32_0 = arith.constant 0 : i32
    return %c0_i32, %arg0 : i32, i32
  }
}

</mosaic_0001>

<sc_bundles>
// kernel: kernel.5.cloned.1.call-start
scs
__scs_entry_jumppad:
0x0: {  	(pc) =	sbr.rel $0x88, $3  }
0x1: {  	(tag) =	ssettag $0x0;
	lr =	simm.s32 $0x1  }
0x2: {  	[smem:$0x3F9A] =	sst lr;
	_ =	strace $0xD0000000  }
0x3: {  	_ = 	snop  }
0x4: {  	_ = 	snop  }
0x5: {  	_ = 	snop  }
0x6: {  	_ = 	snop  }
0x7: {  	_ = 	snop  }
__scs_overlays_trampoline_lowered:
0x8: {  	[smem:$0x3FA9] =	sst s0  }
0x9: {  	[smem:$0x3FAA] =	sst s1  }
0xa: {  	[smem:$0x3FAB] =	sst s2  }
0xb: {  	[smem:$0x3FAC] =	sst s3  }
0xc: {  	[smem:$0x3FAD] =	sst s4  }
0xd: {  	[smem:$0x3FAE] =	sst s5  }
0xe: {  	[smem:$0x3FAF] =	sst s6  }
0xf: {  	[smem:$0x3FB0] =	sst s7  }
0x10: {  	[smem:$0x3FB1] =	sst s8  }
0x11: {  	[smem:$0x3FB2] =	sst s9;
	s0 =	simm.s32 @!p0 $0x0  }
0x12: {  	s1 =	sld [smem:$0x3F98];
	s0 =	simm.s32 @p0 $0x1  }
0x13: {  	[smem:$0x3FB3] =	sst s0;
	s0 =	simm.s32 @!p1 $0x0  }
0x14: {  	s2 =	sld [smem:$0x3F97];
	s0 =	simm.s32 @p1 $0x1  }
0x15: {  	[smem:$0x3FB4] =	sst s0;
	s0 =	simm.s32 @!p2 $0x0  }
0x16: {  	s3 =	sld [smem:$0x3FDB];
	s0 =	simm.s32 @p2 $0x1  }
0x17: {  	s4 =	simm.s32 $0x1BF5;
	[smem:$0x3FB6] =	sst s0  }
0x18: {  	s0 =	sld [smem:$0x3F99];
	_ =	swait.ge [sflag:s4], $0x0  }
0x19: {  	s7 =	sld [smem:$0x3F9A]  }
0x1a: {  	s8 =	sadd.s32 $0xFFFFE003, lr  }
0x1b: {  	s9 =	sadd.s32 $0xFFFFFEF7, lr;
	s5 =	simm.s32 $0xFFFFFFFF;
	p2 =	slt.u32 s8, $0xFFFFF086  }
0x1c: {  	p1 =	slt.u32 s9, $0xF7A;
	s5 =	simm.s32 @!p2 $0x0  }
0x1d: {  	s5 =	simm.s32 @p1 $0x1;
	p0 =	seq.s32 s7, s2  }
0x1e: {  	s7 =	smul.u32 @!p0 $0xF7A, s2;
	p2 =	seq.s32 @!p0 s5, $0x0  }
0x1f: {  	s9 =	smul.u32 $0xF7A, s1;
	s8 =	simm.s32 @!p0 $0x1BF5;
	p2 =	por !p2, p0  }
0x20: {  	[sflag:s8] =	ssyncset.s32 @!p0 $0xFFFFF086;
	s6 =	sadd.s32 @!p0 s3, s7;
	s7 =	simm.s32 @!p0 $0x108  }
0x21: {  	s3 =	sadd.s32 s3, s9;
	s6 =	sadd.s32 @!p0 $0x88, s6;
	s7 =	simm.s32 @p2 $0x1082  }
0x22: {  	[simem:s7], [sflag:s8] =	dma.local @!p0 [hbm:s6], $0xF7A  }
0x23: {  	s9 =	sor.u32 $0xD0000000, s2;
	s6 =	simm.s32 $0x108;
	_ =	swait.ge @!p0 [sflag:s8], $0x0  }
0x24: {  	s3 =	sadd.s32 $0x88, s3;
	s6 =	simm.s32 @!p1 $0x1082;
	[sflag:s4] =	ssyncset.s32 $0xFFFFF086  }
0x25: {  	[simem:s6], [sflag:s4] =	dma.local [hbm:s3], $0xF7A  }
0x26: {  	[smem:$0x3F9A] =	sst s1;
	(tag) =	ssettag s2;
	_ =	strace s9  }
0x27: {  	s1 =	sld [smem:$0x3FAA]  }
0x28: {  	s2 =	sld [smem:$0x3FAB]  }
0x29: {  	s4 =	sld [smem:$0x3FAD]  }
0x2a: {  	p0 =	seq.s32 s5, $0x0;
	s5 =	sld [smem:$0x3FAE]  }
0x2b: {  	s6 =	sld [smem:$0x3FAF]  }
0x2c: {  	s7 =	sld [smem:$0x3FB0]  }
0x2d: {  	s3 =	simm.s32 $0x108;
	s8 =	sld [smem:$0x3FB1]  }
0x2e: {  	s3 =	simm.s32 @!p0 $0x1082;
	s9 =	sld [smem:$0x3FB2]  }
0x2f: {  	lr =	sadd.s32 s0, s3;
	s0 =	sld [smem:$0x3FA9]  }
0x30: {  	s3 =	sld [smem:$0x3FAC]  }
0x31: {  	[smem:$0x3FB5] =	sst s10  }
0x32: {  	s10 =	sld [smem:$0x3FB3];
	_ =	sdelay $0x3  }
0x33: {  	p0 =	seq.s32 s10, $0x1;
	s10 =	sld [smem:$0x3FB5];
	_ =	sdelay $0x3  }
0x34: {  	[smem:$0x3FB5] =	sst s10  }
0x35: {  	s10 =	sld [smem:$0x3FB4];
	_ =	sdelay $0x3  }
0x36: {  	p1 =	seq.s32 s10, $0x1;
	s10 =	sld [smem:$0x3FB5];
	_ =	sdelay $0x3  }
0x37: {  	[smem:$0x3FB5] =	sst s10  }
0x38: {  	s10 =	sld [smem:$0x3FB6]  }
0x39: {  	_ = 	snop;
	(pc) =	sbr.ind lr, $3  }
0x3a: {  	_ = 	snop  }
0x3b: {  	_ = 	snop  }
0x3c: {  	p2 =	seq.s32 s10, $0x1;
	s10 =	sld [smem:$0x3FB5]  }
0x3d: {  	_ =	shalt  }
0x3e: {  	_ =	shalt  }
0x3f: {  	_ =	shalt  }
0x40: {  	_ =	shalt  }
0x41: {  	_ =	shalt  }
0x42: {  	_ =	shalt  }
0x43: {  	_ =	shalt  }
0x44: {  	_ =	shalt  }
0x45: {  	_ =	shalt  }
0x46: {  	_ =	shalt  }
0x47: {  	_ =	shalt  }
0x48: {  	_ =	shalt  }
0x49: {  	_ =	shalt  }
0x4a: {  	_ =	shalt  }
0x4b: {  	_ =	shalt  }
0x4c: {  	_ =	shalt  }
0x4d: {  	_ =	shalt  }
0x4e: {  	_ =	shalt  }
0x4f: {  	_ =	shalt  }
0x50: {  	_ =	shalt  }
0x51: {  	_ =	shalt  }
0x52: {  	_ =	shalt  }
0x53: {  	_ =	shalt  }
0x54: {  	_ =	shalt  }
0x55: {  	_ =	shalt  }
0x56: {  	_ =	shalt  }
0x57: {  	_ =	shalt  }
0x58: {  	_ =	shalt  }
0x59: {  	_ =	shalt  }
0x5a: {  	_ =	shalt  }
0x5b: {  	_ =	shalt  }
0x5c: {  	_ =	shalt  }
0x5d: {  	_ =	shalt  }
0x5e: {  	_ =	shalt  }
0x5f: {  	_ =	shalt  }
0x60: {  	_ =	shalt  }
0x61: {  	_ =	shalt  }
0x62: {  	_ =	shalt  }
0x63: {  	_ =	shalt  }
0x64: {  	_ =	shalt  }
0x65: {  	_ =	shalt  }
0x66: {  	_ =	shalt  }
0x67: {  	_ =	shalt  }
0x68: {  	_ =	shalt  }
0x69: {  	_ =	shalt  }
0x6a: {  	_ =	shalt  }
0x6b: {  	_ =	shalt  }
0x6c: {  	_ =	shalt  }
0x6d: {  	_ =	shalt  }
0x6e: {  	_ =	shalt  }
0x6f: {  	_ =	shalt  }
0x70: {  	_ =	shalt  }
0x71: {  	_ =	shalt  }
0x72: {  	_ =	shalt  }
0x73: {  	_ =	shalt  }
0x74: {  	_ =	shalt  }
0x75: {  	_ =	shalt  }
0x76: {  	_ =	shalt  }
0x77: {  	_ =	shalt  }
0x78: {  	_ =	shalt  }
0x79: {  	_ =	shalt  }
0x7a: {  	_ =	shalt  }
0x7b: {  	_ =	shalt  }
0x7c: {  	_ =	shalt  }
0x7d: {  	_ =	shalt  }
0x7e: {  	_ =	shalt  }
0x7f: {  	_ =	shalt  }
0x80: {  	_ =	shalt  }
0x81: {  	_ =	shalt  }
0x82: {  	_ =	shalt  }
0x83: {  	_ =	shalt  }
0x84: {  	_ =	shalt  }
0x85: {  	_ =	shalt  }
0x86: {  	_ =	shalt  }
0x87: {  	_ =	shalt  }
.Lfunc_end0:
.L_simem_size_0:
called_computation_lowered:
.L_overlay_start_0:
0x88: {  	s2 =	sld [smem:$0x3FD9]  }
0x89: {  	s3 =	sld [smem:$0x3FFE];
	_ =	sdelay $0x1  }
0x8a: {  	s1 =	srdreg.scid  }
0x8b: {  	s0 =	sand.u32 $0x1, s1  }
0x8c: {  	s17 =	sshll.u32 s0, $0xA;
	s2 =	sadd.s32 s3, s2  }
0x8d: {  	s2 =	sadd.s32 s2, s17  }
0x8e: {  	[smem:$0x3FC1] =	sst s2  }
0x8f: {  	_ = 	snop  }
0x90: {  	s2 =	sld [smem:$0x3FC9]  }
0x91: {  	s18 =	sld [smem:$0x3FD0];
	(tm) =	ssettm $0x1  }
0x92: {  	s4 =	sld [smem:$0x3FFB];
	_ =	sdelay $0x3  }
0x93: {  	_ =	strace s4  }
0x94: {  	s4 =	sld [smem:$0x3FFC];
	_ =	sdelay $0x3  }
0x95: {  	_ =	strace s4  }
0x96: {  	s4 =	sld [smem:$0x3FFD];
	_ =	sdelay $0x3  }
0x97: {  	_ =	strace s4  }
0x98: {  	_ =	strace $0x8FFFFFFF  }
0x99: {  	s19 =	sld [smem:$0x3FDB];
	_ =	sdelay $0x1  }
0x9a: {  	s5 =	simm.s32 $_scs_section_size  }
0x9b: {  	s6 =	simm.s32 $_size__tile_overlayer_lowered;
	s7 =	simm.s32 $_tile_overlayer_lowered  }
0x9c: {  	s22 =	simm.s32 $0x1BFF;
	s21 =	sshll.u32 s7, $0x1;
	s4 =	sadd.s32 s5, s19  }
0x9d: {  	s8 =	simm.s32 $0x0;
	s20 =	sshll.u32 s6, $0x1;
	s6 =	sadd.s32 s21, s4  }
0x9e: {  	[timem:s8], [sflag:s22] =	dma.local [hbm:s6], s20  }
0x9f: {  	_ =	swait.ge [sflag:s22], s20  }
0xa0: {  	s5 =	ssub.s32 $0x0, s20;
	[sflag:s22] =	ssyncset.done $0x0  }
0xa1: {  	[sflag:s22] =	ssyncadd.s32 s5;
	_ =	sdelay $0x1  }
0xa2: {  	s23 =	simm.s32 $0x1B8B  }
0xa3: {  	_ =	swait.ge [sflag:s23], $0x1  }
0xa4: {  	[sflag:s23] =	ssyncset.done $0x0  }
0xa5: {  	s25 =	simm.s32 $0x1B8E;
	s24 =	sld [smem:$0x3FFE];
	[sflag:s23] =	ssyncadd.s32 $0xFFFFFFFF  }
0xa6: {  	s26 =	simm.s32 $execute0_lowered;
	[smem:$0x3FD2] =	sst s25  }
0xa7: {  	s6 =	sshll.u32 s26, $0x1;
	_ =	strace $0x80000046;
	[dreg:$0x1] =	wrdreg $0xFFFFFFFF  }
0xa8: {  	s28 =	simm.s32 $_size_execute0_lowered;
	s4 =	sadd.s32 s4, s6;
	[dreg:$0x0] =	wrdreg $0x0  }
0xa9: {  	s6 =	sshll.u32 s28, $0x1;
	[dreg:$0x2] =	wrdreg s4  }
0xaa: {  	[dreg:$0x3] =	wrdreg s6  }
0xab: {  	[dreg:$0x4] =	wrdreg $0xC0  }
0xac: {  	_ =	task [dreg:s8], $0x5FFFF  }
0xad: {  	[dreg:$0x1] =	wrdreg $0xFFFFFFFF  }
0xae: {  	[dreg:$0x0] =	wrdreg $0x60  }
0xaf: {  	[dreg:$0x2] =	wrdreg s24  }
0xb0: {  	[dreg:$0x3] =	wrdreg s2  }
0xb1: {  	[dreg:$0x4] =	wrdreg s18  }
0xb2: {  	[dreg:$0x5] =	wrdreg $0x9  }
0xb3: {  	_ =	task.clear_ibuf [dreg:s8], $0x6FFFF;
	_ =	strace $0x90000046  }
0xb4: {  	s29 =	simm.s32 $0x9;
	_ =	strace $0x80000048  }
0xb5: {  	_ =	swait.ge [sflag:s29], $0x1  }
0xb6: {  	[sflag:s29] =	ssyncadd.s32 $0xFFFFFFFF  }
0xb7: {  	_ =	strace $0x90000048  }
0xb8: {  	_ =	sfence  }
0xb9: {  	s30 =	sld [smem:$0x0];
	_ =	sdelay $0x2  }
0xba: {  	s31 =	sshll.u32 s1, $0xD;
	s1 =	sshrl.u32 s1, $0x2  }
0xbb: {  	s3 =	sand.u32 $0x4000, s31;
	s1 =	sadd.s32 s1, s30  }
0xbc: {  	s0 =	sor.u32 s3, s0;
	s1 =	sshll.u32 s1, $0x11  }
0xbd: {  	s0 =	sor.u32 s1, s0  }
0xbe: {  	s0 =	sadd.s32 $0x8F2B, s0  }
0xbf: {  	[sflag:s0] =	ssyncadd.remote.s32 $0x1  }
0xc0: {  	_ =	sfence.sel $0xFFFF  }
0xc1: {  	[dreg:$0x0] =	wrdreg $0xFFFFFFFF;
	(pc) =	sbr.abs _section_cstart, $3  }
0xc2: {  	[dreg:$0x1] =	wrdreg $0xFFFFFFFF  }
0xc3: {  	_ =	task.clear_ibuf [dreg:s8], $0x2FFFF;
	_ =	strace $0x9FFFFFFF  }
0xc4: {  	(tm) =	ssettm $0x7FFFFFFF  }
0xc5: {  	_ =	shalt  }
tec
execute0_lowered:
.L_overlay_start_1:
0x0: {  	(tag) =	ssettag $0x1  }
0x1: {  	s0 =	rddreg [dreg:$0x0]  }
0x2: {  	s1 =	rddreg [dreg:$0x1]  }
0x3: {  	s6 =	rddreg [dreg:$0x2];
	s3 =	srdreg.scid;
	s2 =	simm.s32 $0x0  }
0x4: {  	s4 =	stileid.u32;
	s10 =	simm.s32 $0x2;
	s12 =	simm.s32 $0x80  }
0x5: {  	s21 =	simm.s32 $0x480;
	s22 =	simm.s32 $0x7480;
	s23 =	simm.s32 $0x880  }
0x6: {  	s24 =	simm.s32 $0x7880;
	s25 =	simm.s32 $0xC80;
	s28 =	simm.s32 $0x100  }
0x7: {  	s29 =	simm.s32 $0x7100;
	s30 =	simm.s32 $0x500;
	s31 =	simm.s32 $0x7500  }
0x8: {  	s9 =	simm.s32 $0x7D00;
	s11 =	simm.s32 $0x1;
	s13 =	simm.s32 $0xE200  }
0x9: {  	s14 =	simm.s32 $0x0;
	s3 =	sand.u32 $0x1, s3;
	[smem:$0x7FF] =	sst s2  }
0xa: {  	s4 =	sshll.u32 s4, $0xA;
	s5 =	sshll.u32 s3, $0x9;
	s26 =	ssub.s32 $0x2, s3  }
0xb: {  	_ =	strace $0x80000047;
	s4 =	sor.u32 s5, s4;
	s8 =	sshrl.u32 s26, $0x1  }
0xc: {  	s3 =	sadd.s32 $0x1000, s0;
	s7 =	sshrl.u32 s4, $0x3;
	s8 =	ssub.s32 s26, s8  }
0xd: {  	s4 =	sadd.s32 s1, s4;
	s26 =	simm.s32 $0x7C80;
	s1 =	simm.s32 $0x7900  }
0xe: {  	s0 =	sadd.s32 s7, s0;
	s6 =	sadd.s32 s6, s7;
	s7 =	smax.u32 s8, $0x1  }
0xf: {  	s8 =	simm.s32 $0xD00;
	s5 =	sadd.s32 $0x20000, s0;
	s0 =	simm.s32 $0x900  }
.LBB2_1:
0x10: {  	s15 =	simm.s32 $0x1000;
	s16 =	simm.s32 $0x20000  }
0x11: {  	[tilespmem:s2], [sflag:$0x2] =	stream.strided.gather [hbm4b:s4+s15], $0x7000, s16, s15, $0x38;
	[tilespmem:$0xE400] =	vst v63  }
0x12: {  	_ =	swait.ge [sflag:s10], $0x7000  }
0x13: {  	[sflag:s10] =	ssyncset.done $0x0  }
0x14: {  	s17 =	simm.s32 $0xE000;
	[sflag:s10] =	ssyncadd.s32 $0xFFFF9000  }
0x15: {  	[tilespmem:s17], [sflag:$0x2] =	stream.linear.gather [hbm4b:s5+s2], $0x200, $0x38;
	[tilespmem:$0xE400] =	vst v63  }
0x16: {  	_ =	swait.ge [sflag:s10], $0x200  }
0x17: {  	[sflag:s10] =	ssyncset.done $0x0  }
0x18: {  	s18 =	simm.s32 $0x7000;
	[sflag:s10] =	ssyncadd.s32 $0xFFFFFE00  }
0x19: {  	[tilespmem:s18], [sflag:$0x1] =	stream.indirect.gather [hbm4b:s3+s12], $0x1, s2, s12, $0xb8;
	[tilespmem:$0xE400] =	vst v63  }
0x1a: {  	s19 =	simm.s32 $0x400;
	s20 =	simm.s32 $0x7400  }
0x1b: {  	[tilespmem:s20], [sflag:$0x1] =	stream.indirect.gather [hbm4b:s3+s12], $0x1, s19, s12, $0xb8;
	[tilespmem:$0xE400] =	vst v63  }
0x1c: {  	s16 =	simm.s32 $0x800;
	s17 =	simm.s32 $0x7800  }
0x1d: {  	[tilespmem:s17], [sflag:$0x1] =	stream.indirect.gather [hbm4b:s3+s12], $0x1, s16, s12, $0xb8;
	[tilespmem:$0xE400] =	vst v63  }
0x1e: {  	s18 =	simm.s32 $0xC00;
	s19 =	simm.s32 $0x7C00  }
0x1f: {  	[tilespmem:s19], [sflag:$0x1] =	stream.indirect.gather [hbm4b:s3+s12], $0x1, s18, s12, $0xb8;
	[tilespmem:$0xE400] =	vst v63  }
0x20: {  	s20 =	simm.s32 $0x7080  }
0x21: {  	[tilespmem:s20], [sflag:$0x1] =	stream.indirect.gather [hbm4b:s3+s12], $0x1, s12, s12, $0xb8;
	[tilespmem:$0xE400] =	vst v63  }
0x22: {  	_ = 	snop  }
0x23: {  	[tilespmem:s22], [sflag:$0x1] =	stream.indirect.gather [hbm4b:s3+s12], $0x1, s21, s12, $0xb8;
	[tilespmem:$0xE400] =	vst v63  }
0x24: {  	_ = 	snop  }
0x25: {  	[tilespmem:s24], [sflag:$0x1] =	stream.indirect.gather [hbm4b:s3+s12], $0x1, s23, s12, $0xb8;
	[tilespmem:$0xE400] =	vst v63  }
0x26: {  	_ = 	snop  }
0x27: {  	[tilespmem:s26], [sflag:$0x1] =	stream.indirect.gather [hbm4b:s3+s12], $0x1, s25, s12, $0xb8;
	[tilespmem:$0xE400] =	vst v63  }
0x28: {  	_ = 	snop  }
0x29: {  	[tilespmem:s29], [sflag:$0x1] =	stream.indirect.gather [hbm4b:s3+s12], $0x1, s28, s12, $0xb8;
	[tilespmem:$0xE400] =	vst v63  }
0x2a: {  	s16 =	simm.s32 $0x600;
	s17 =	simm.s32 $0x180  }
0x2b: {  	[tilespmem:s31], [sflag:$0x1] =	stream.indirect.gather [hbm4b:s3+s12], $0x1, s30, s12, $0xb8;
	[tilespmem:$0xE400] =	vst v63  }
0x2c: {  	s15 =	sand.u32 $0x7000, s16;
	s16 =	sand.u32 $0x380, s17  }
0x2d: {  	[tilespmem:s1], [sflag:$0x1] =	stream.indirect.gather [hbm4b:s3+s12], $0x1, s0, s12, $0xb8;
	[tilespmem:$0xE400] =	vst v63  }
0x2e: {  	s15 =	sor.u32 s16, s15  }
0x2f: {  	[tilespmem:s9], [sflag:$0x1] =	stream.indirect.gather [hbm4b:s3+s12], $0x1, s8, s12, $0xb8;
	[tilespmem:$0xE400] =	vst v63  }
0x30: {  	s16 =	sadd.s32 $0x7000, s15  }
0x31: {  	[tilespmem:s16], [sflag:$0x1] =	stream.indirect.gather [hbm4b:s3+s12], $0x1, s15, s12, $0xb8;
	[tilespmem:$0xE400] =	vst v63  }
0x32: {  	s18 =	sor.u32 $0x400, s15;
	s17 =	sadd.s32 $0x7400, s15  }
0x33: {  	[tilespmem:s17], [sflag:$0x1] =	stream.indirect.gather [hbm4b:s3+s12], $0x1, s18, s12, $0xb8;
	[tilespmem:$0xE400] =	vst v63  }
0x34: {  	s19 =	sor.u32 $0x800, s15;
	s20 =	sadd.s32 $0x7800, s15  }
0x35: {  	[tilespmem:s20], [sflag:$0x1] =	stream.indirect.gather [hbm4b:s3+s12], $0x1, s19, s12, $0xb8;
	[tilespmem:$0xE400] =	vst v63  }
0x36: {  	s18 =	sor.u32 $0xC00, s15;
	s15 =	sadd.s32 $0x7C00, s15  }
0x37: {  	[tilespmem:s15], [sflag:$0x1] =	stream.indirect.gather [hbm4b:s3+s12], $0x1, s18, s12, $0xb8;
	[tilespmem:$0xE400] =	vst v63  }
0x38: {  	_ =	swait.ge [sflag:s11], $0x80  }
0x39: {  	[sflag:s11] =	ssyncset.done $0x0  }
0x3a: {  	[sflag:s11] =	ssyncadd.s32 $0xFFFFFF80  }
0x3b: {  	_ =	swait.ge [sflag:s11], $0x80  }
0x3c: {  	[sflag:s11] =	ssyncset.done $0x0  }
0x3d: {  	[sflag:s11] =	ssyncadd.s32 $0xFFFFFF80  }
0x3e: {  	_ =	swait.ge [sflag:s11], $0x80  }
0x3f: {  	[sflag:s11] =	ssyncset.done $0x0  }
0x40: {  	s19 =	simm.s32 $0x800;
	s15 =	simm.s32 $0x200;
	[sflag:s11] =	ssyncadd.s32 $0xFFFFFF80  }
0x41: {  	s16 =	sand.u32 $0x7000, s19;
	s20 =	sand.u32 $0x380, s15;
	_ =	swait.ge [sflag:s11], $0x80  }
0x42: {  	s17 =	simm.s32 $0xA00;
	s16 =	sor.u32 s20, s16;
	[sflag:s11] =	ssyncset.done $0x0  }
.LBB2_2:
0x43: {  	s18 =	sadd.s32 $0x7000, s16  }
0x44: {  	[sflag:s11] =	ssyncadd.s32 $0xFFFFFF80;
	s19 =	smov.u32 s17;
	s20 =	sadd.s32 $0x200, s17  }
0x45: {  	[tilespmem:s18], [sflag:$0x1] =	stream.indirect.gather [hbm4b:s3+s12], $0x1, s16, s12, $0xb8;
	[tilespmem:$0xE400] =	vst v63  }
0x46: {  	p0 =	sne.s32 s17, $0x6200;
	s17 =	sor.u32 $0x400, s16;
	s18 =	sadd.s32 $0x7400, s16  }
0x47: {  	[tilespmem:s18], [sflag:$0x1] =	stream.indirect.gather [hbm4b:s3+s12], $0x1, s17, s12, $0xb8;
	[tilespmem:$0xE400] =	vst v63  }
0x48: {  	s17 =	sor.u32 $0x800, s16;
	s18 =	sadd.s32 $0x7800, s16  }
0x49: {  	[tilespmem:s18], [sflag:$0x1] =	stream.indirect.gather [hbm4b:s3+s12], $0x1, s17, s12, $0xb8;
	[tilespmem:$0xE400] =	vst v63  }
0x4a: {  	s17 =	sor.u32 $0xC00, s16;
	s16 =	sadd.s32 $0x7C00, s16  }
0x4b: {  	[tilespmem:s16], [sflag:$0x1] =	stream.indirect.gather [hbm4b:s3+s12], $0x1, s17, s12, $0xb8;
	[tilespmem:$0xE400] =	vst v63  }
0x4c: {  	_ =	swait.ge [sflag:s11], $0x80  }
0x4d: {  	[sflag:s11] =	ssyncset.done $0x0  }
0x4e: {  	[sflag:s11] =	ssyncadd.s32 $0xFFFFFF80  }
0x4f: {  	_ =	swait.ge [sflag:s11], $0x80  }
0x50: {  	[sflag:s11] =	ssyncset.done $0x0  }
0x51: {  	[sflag:s11] =	ssyncadd.s32 $0xFFFFFF80  }
.Ltmp0:
0x52: {  	_ =	swait.ge [sflag:s11], $0x80;
	(pc) =	sbr.rel @p0 .LBB2_2-.Ltmp0, $4  }
0x53: {  	[sflag:s11] =	ssyncset.done $0x0  }
0x54: {  	s15 =	sadd.s32 $0x80, s15;
	[sflag:s11] =	ssyncadd.s32 $0xFFFFFF80  }
0x55: {  	s16 =	sand.u32 $0x7000, s19;
	s17 =	sand.u32 $0x380, s15;
	_ =	swait.ge [sflag:s11], $0x80  }
0x56: {  	s16 =	sor.u32 s17, s16;
	s17 =	smov.u32 s20;
	[sflag:s11] =	ssyncset.done $0x0  }
0x57: {  	s15 =	sadd.s32 $0x7000, s16;
	[sflag:s11] =	ssyncadd.s32 $0xFFFFFF80  }
0x58: {  	[tilespmem:s15], [sflag:$0x1] =	stream.indirect.gather [hbm4b:s3+s12], $0x1, s16, s12, $0xb8;
	[tilespmem:$0xE400] =	vst v63  }
0x59: {  	s20 =	sor.u32 $0x400, s16;
	s17 =	sadd.s32 $0x7400, s16  }
0x5a: {  	[tilespmem:s17], [sflag:$0x1] =	stream.indirect.gather [hbm4b:s3+s12], $0x1, s20, s12, $0xb8;
	[tilespmem:$0xE400] =	vst v63  }
0x5b: {  	s18 =	sor.u32 $0x800, s16;
	s19 =	sadd.s32 $0x7800, s16  }
0x5c: {  	[tilespmem:s19], [sflag:$0x1] =	stream.indirect.gather [hbm4b:s3+s12], $0x1, s18, s12, $0xb8;
	[tilespmem:$0xE400] =	vst v63  }
0x5d: {  	s20 =	sor.u32 $0xC00, s16;
	s17 =	sadd.s32 $0x7C00, s16  }
0x5e: {  	[tilespmem:s17], [sflag:$0x1] =	stream.indirect.gather [hbm4b:s3+s12], $0x1, s20, s12, $0xb8;
	[tilespmem:$0xE400] =	vst v63  }
0x5f: {  	_ =	swait.ge [sflag:s11], $0x80  }
0x60: {  	[sflag:s11] =	ssyncset.done $0x0  }
0x61: {  	[sflag:s11] =	ssyncadd.s32 $0xFFFFFF80  }
0x62: {  	_ =	swait.ge [sflag:s11], $0x80  }
0x63: {  	[sflag:s11] =	ssyncset.done $0x0  }
0x64: {  	[sflag:s11] =	ssyncadd.s32 $0xFFFFFF80  }
0x65: {  	_ =	swait.ge [sflag:s11], $0x80  }
0x66: {  	[sflag:s11] =	ssyncset.done $0x0  }
0x67: {  	[sflag:s11] =	ssyncadd.s32 $0xFFFFFF80  }
0x68: {  	_ =	swait.ge [sflag:s11], $0x80  }
0x69: {  	[sflag:s11] =	ssyncset.done $0x0  }
0x6a: {  	[sflag:s11] =	ssyncadd.s32 $0xFFFFFF80  }
0x6b: {  	_ =	swait.ge [sflag:s11], $0x80  }
0x6c: {  	[sflag:s11] =	ssyncset.done $0x0  }
0x6d: {  	[sflag:s11] =	ssyncadd.s32 $0xFFFFFF80  }
0x6e: {  	_ =	swait.ge [sflag:s11], $0x80  }
0x6f: {  	[sflag:s11] =	ssyncset.done $0x0  }
0x70: {  	[sflag:s11] =	ssyncadd.s32 $0xFFFFFF80  }
0x71: {  	_ =	swait.ge [sflag:s11], $0x80  }
0x72: {  	[sflag:s11] =	ssyncset.done $0x0  }
0x73: {  	[sflag:s11] =	ssyncadd.s32 $0xFFFFFF80  }
0x74: {  	_ =	swait.ge [sflag:s11], $0x80  }
0x75: {  	[sflag:s11] =	ssyncset.done $0x0  }
0x76: {  	[sflag:s11] =	ssyncadd.s32 $0xFFFFFF80  }
0x77: {  	_ =	swait.ge [sflag:s11], $0x80  }
0x78: {  	[sflag:s11] =	ssyncset.done $0x0  }
0x79: {  	[sflag:s11] =	ssyncadd.s32 $0xFFFFFF80  }
0x7a: {  	_ =	swait.ge [sflag:s11], $0x80  }
0x7b: {  	[sflag:s11] =	ssyncset.done $0x0  }
0x7c: {  	[sflag:s11] =	ssyncadd.s32 $0xFFFFFF80  }
0x7d: {  	_ =	swait.ge [sflag:s11], $0x80  }
0x7e: {  	[sflag:s11] =	ssyncset.done $0x0  }
0x7f: {  	[sflag:s11] =	ssyncadd.s32 $0xFFFFFF80  }
0x80: {  	_ =	swait.ge [sflag:s11], $0x80  }
0x81: {  	[sflag:s11] =	ssyncset.done $0x0  }
0x82: {  	[sflag:s11] =	ssyncadd.s32 $0xFFFFFF80  }
0x83: {  	_ =	swait.ge [sflag:s11], $0x80  }
0x84: {  	[sflag:s11] =	ssyncset.done $0x0  }
0x85: {  	[sflag:s11] =	ssyncadd.s32 $0xFFFFFF80  }
0x86: {  	_ =	swait.ge [sflag:s11], $0x80  }
0x87: {  	[sflag:s11] =	ssyncset.done $0x0  }
0x88: {  	[sflag:s11] =	ssyncadd.s32 $0xFFFFFF80  }
0x89: {  	_ =	swait.ge [sflag:s11], $0x80  }
0x8a: {  	[sflag:s11] =	ssyncset.done $0x0  }
0x8b: {  	[sflag:s11] =	ssyncadd.s32 $0xFFFFFF80  }
0x8c: {  	s18 =	simm.s32 $0x0;
	_ =	swait.ge [sflag:s11], $0x80  }
0x8d: {  	s19 =	sand.u32 $0x70, s18;
	s15 =	sand.u32 $0xC00, s18;
	[sflag:s11] =	ssyncset.done $0x0  }
0x8e: {  	s15 =	sor.u32 s19, s15;
	[sflag:s11] =	ssyncadd.s32 $0xFFFFFF80  }
0x8f: {  	v0 =	vld [tilespmem:s15+$0x7080]  }
0x90: {  	v1 =	vld [tilespmem:s15+$0x7000];
	_ =	sdelay $0x1  }
0x91: {  	v2 =	vld [tilespmem:s15+$0x7100];
	_ =	sdelay $0x1  }
0x92: {  	v3 =	vld [tilespmem:s15+$0x7180]  }
0x93: {  	v0 =	vadd.f32 v0, v1  }
0x94: {  	v17 =	vld [tilespmem:s15+$0x7200]  }
0x95: {  	v0 =	vadd.f32 v2, v0  }
0x96: {  	v18 =	vld [tilespmem:s15+$0x7280]  }
0x97: {  	v0 =	vadd.f32 v3, v0  }
0x98: {  	v19 =	vld [tilespmem:s15+$0x7300]  }
0x99: {  	v0 =	vadd.f32 v17, v0  }
0x9a: {  	v20 =	vld [tilespmem:s15+$0x7380]  }
0x9b: {  	v0 =	vadd.f32 v18, v0  }
0x9c: {  	v21 =	vld [tilespmem:s15+$0x8000]  }
0x9d: {  	v0 =	vadd.f32 v19, v0  }
0x9e: {  	v22 =	vld [tilespmem:s15+$0x8080]  }
0x9f: {  	v0 =	vadd.f32 v20, v0  }
0xa0: {  	v23 =	vld [tilespmem:s15+$0x8100]  }
0xa1: {  	v0 =	vadd.f32 v21, v0  }
0xa2: {  	v24 =	vld [tilespmem:s15+$0x8180]  }
0xa3: {  	v0 =	vadd.f32 v22, v0  }
0xa4: {  	v25 =	vld [tilespmem:s15+$0x8200]  }
0xa5: {  	v0 =	vadd.f32 v23, v0  }
0xa6: {  	v26 =	vld [tilespmem:s15+$0x8280]  }
0xa7: {  	v0 =	vadd.f32 v24, v0  }
0xa8: {  	v27 =	vld [tilespmem:s15+$0x8300]  }
0xa9: {  	v0 =	vadd.f32 v25, v0  }
0xaa: {  	v28 =	vld [tilespmem:s15+$0x8380]  }
0xab: {  	v0 =	vadd.f32 v26, v0  }
0xac: {  	v29 =	vld [tilespmem:s15+$0x9000]  }
0xad: {  	v0 =	vadd.f32 v27, v0  }
0xae: {  	v30 =	vld [tilespmem:s15+$0x9080]  }
0xaf: {  	v0 =	vadd.f32 v28, v0  }
0xb0: {  	v31 =	vld [tilespmem:s15+$0x9100]  }
0xb1: {  	v0 =	vadd.f32 v29, v0  }
0xb2: {  	v32 =	vld [tilespmem:s15+$0x9180]  }
0xb3: {  	v0 =	vadd.f32 v30, v0  }
0xb4: {  	v33 =	vld [tilespmem:s15+$0x9200]  }
0xb5: {  	v0 =	vadd.f32 v31, v0  }
0xb6: {  	v34 =	vld [tilespmem:s15+$0x9280]  }
0xb7: {  	v0 =	vadd.f32 v32, v0  }
0xb8: {  	v35 =	vld [tilespmem:s15+$0x9300]  }
0xb9: {  	v0 =	vadd.f32 v33, v0  }
0xba: {  	v36 =	vld [tilespmem:s15+$0x9380]  }
0xbb: {  	v0 =	vadd.f32 v34, v0  }
0xbc: {  	v37 =	vld [tilespmem:s15+$0xA000]  }
0xbd: {  	v0 =	vadd.f32 v35, v0  }
0xbe: {  	v38 =	vld [tilespmem:s15+$0xA080]  }
0xbf: {  	v0 =	vadd.f32 v36, v0  }
0xc0: {  	v39 =	vld [tilespmem:s15+$0xA100]  }
0xc1: {  	v0 =	vadd.f32 v37, v0  }
0xc2: {  	v40 =	vld [tilespmem:s15+$0xA180]  }
0xc3: {  	v0 =	vadd.f32 v38, v0  }
0xc4: {  	v41 =	vld [tilespmem:s15+$0xA200]  }
0xc5: {  	v0 =	vadd.f32 v39, v0  }
0xc6: {  	v42 =	vld [tilespmem:s15+$0xA280]  }
0xc7: {  	v0 =	vadd.f32 v40, v0  }
0xc8: {  	v43 =	vld [tilespmem:s15+$0xA300]  }
0xc9: {  	v0 =	vadd.f32 v41, v0  }
0xca: {  	v44 =	vld [tilespmem:s15+$0xA380]  }
0xcb: {  	v0 =	vadd.f32 v42, v0  }
0xcc: {  	v45 =	vld [tilespmem:s15+$0xB000]  }
0xcd: {  	v0 =	vadd.f32 v43, v0  }
0xce: {  	v46 =	vld [tilespmem:s15+$0xB080]  }
0xcf: {  	v0 =	vadd.f32 v44, v0  }
0xd0: {  	v47 =	vld [tilespmem:s15+$0xB100]  }
0xd1: {  	v0 =	vadd.f32 v45, v0  }
0xd2: {  	v48 =	vld [tilespmem:s15+$0xB180]  }
0xd3: {  	v0 =	vadd.f32 v46, v0  }
0xd4: {  	v49 =	vld [tilespmem:s15+$0xB200]  }
0xd5: {  	v0 =	vadd.f32 v47, v0  }
0xd6: {  	v50 =	vld [tilespmem:s15+$0xB280]  }
0xd7: {  	v0 =	vadd.f32 v48, v0  }
0xd8: {  	v51 =	vld [tilespmem:s15+$0xB300]  }
0xd9: {  	v0 =	vadd.f32 v49, v0  }
0xda: {  	v52 =	vld [tilespmem:s15+$0xB380]  }
0xdb: {  	v0 =	vadd.f32 v50, v0  }
0xdc: {  	v53 =	vld [tilespmem:s15+$0xC000]  }
0xdd: {  	v0 =	vadd.f32 v51, v0  }
0xde: {  	v54 =	vld [tilespmem:s15+$0xC080]  }
0xdf: {  	v0 =	vadd.f32 v52, v0  }
0xe0: {  	v55 =	vld [tilespmem:s15+$0xC100]  }
0xe1: {  	v0 =	vadd.f32 v53, v0  }
0xe2: {  	v56 =	vld [tilespmem:s15+$0xC180]  }
0xe3: {  	v0 =	vadd.f32 v54, v0  }
0xe4: {  	v57 =	vld [tilespmem:s15+$0xC200]  }
0xe5: {  	v0 =	vadd.f32 v55, v0  }
0xe6: {  	v58 =	vld [tilespmem:s15+$0xC280]  }
0xe7: {  	v0 =	vadd.f32 v56, v0  }
0xe8: {  	v59 =	vld [tilespmem:s15+$0xC300]  }
0xe9: {  	v0 =	vadd.f32 v57, v0  }
0xea: {  	v60 =	vld [tilespmem:s15+$0xC380]  }
0xeb: {  	v0 =	vadd.f32 v58, v0  }
0xec: {  	v61 =	vld [tilespmem:s15+$0xD000]  }
0xed: {  	v0 =	vadd.f32 v59, v0  }
0xee: {  	v62 =	vld [tilespmem:s15+$0xD080]  }
0xef: {  	v0 =	vadd.f32 v60, v0;
	_ =	sdelay $0x1  }
0xf0: {  	s15 =	simm.s32 $0xE000;
	v0 =	vadd.f32 v61, v0  }
0xf1: {  	v63 =	vld [tilespmem:s15+$0x0]  }
0xf2: {  	v0 =	vadd.f32 v62, v0;
	_ =	sdelay $0x1  }
0xf3: {  	v0 =	vmul.f32 $1.999999960e-02, v0;
	_ =	sdelay $0x1  }
0xf4: {  	s18 =	simm.s32 $0x80;
	s20 =	simm.s32 $0x10;
	v0 =	vadd.f32 v0, v63  }
0xf5: {  	s16 =	simm.s32 $0xE200;
	s19 =	sand.u32 $0xC00, s18;
	s17 =	sand.u32 $0x70, s20  }
0xf6: {  	s17 =	sor.u32 s17, s19;
	s19 =	simm.s32 $0x20;
	[tilespmem:s16+$0x0] =	vst v0  }
.LBB2_4:
0xf7: {  	p0 =	sne.s32 s19, $0x1F0;
	v0 =	vld [tilespmem:s17+$0x7080]  }
0xf8: {  	v1 =	vld [tilespmem:s17+$0x7000];
	_ =	sdelay $0x1  }
0xf9: {  	v2 =	vld [tilespmem:s17+$0x7100];
	_ =	sdelay $0x1  }
0xfa: {  	v3 =	vld [tilespmem:s17+$0x7180]  }
0xfb: {  	v0 =	vadd.f32 v0, v1  }
0xfc: {  	v1 =	vld [tilespmem:s17+$0x7200]  }
0xfd: {  	v0 =	vadd.f32 v2, v0  }
0xfe: {  	v2 =	vld [tilespmem:s17+$0x7280]  }
0xff: {  	v0 =	vadd.f32 v3, v0  }
0x100: {  	v3 =	vld [tilespmem:s17+$0x7300]  }
0x101: {  	v0 =	vadd.f32 v1, v0  }
0x102: {  	v1 =	vld [tilespmem:s17+$0x7380]  }
0x103: {  	v0 =	vadd.f32 v2, v0  }
0x104: {  	v2 =	vld [tilespmem:s17+$0x8000]  }
0x105: {  	v0 =	vadd.f32 v3, v0  }
0x106: {  	v3 =	vld [tilespmem:s17+$0x8080]  }
0x107: {  	v0 =	vadd.f32 v1, v0  }
0x108: {  	v1 =	vld [tilespmem:s17+$0x8100]  }
0x109: {  	v0 =	vadd.f32 v2, v0  }
0x10a: {  	v2 =	vld [tilespmem:s17+$0x8180]  }
0x10b: {  	v0 =	vadd.f32 v3, v0  }
0x10c: {  	v3 =	vld [tilespmem:s17+$0x8200]  }
0x10d: {  	v0 =	vadd.f32 v1, v0  }
0x10e: {  	v1 =	vld [tilespmem:s17+$0x8280]  }
0x10f: {  	v0 =	vadd.f32 v2, v0  }
0x110: {  	v2 =	vld [tilespmem:s17+$0x8300]  }
0x111: {  	v0 =	vadd.f32 v3, v0  }
0x112: {  	v3 =	vld [tilespmem:s17+$0x8380]  }
0x113: {  	v0 =	vadd.f32 v1, v0  }
0x114: {  	v1 =	vld [tilespmem:s17+$0x9000]  }
0x115: {  	v0 =	vadd.f32 v2, v0  }
0x116: {  	v2 =	vld [tilespmem:s17+$0x9080]  }
0x117: {  	v0 =	vadd.f32 v3, v0  }
0x118: {  	v3 =	vld [tilespmem:s17+$0x9100]  }
0x119: {  	v0 =	vadd.f32 v1, v0  }
0x11a: {  	v1 =	vld [tilespmem:s17+$0x9180]  }
0x11b: {  	v0 =	vadd.f32 v2, v0  }
0x11c: {  	v2 =	vld [tilespmem:s17+$0x9200]  }
0x11d: {  	v0 =	vadd.f32 v3, v0  }
0x11e: {  	v3 =	vld [tilespmem:s17+$0x9280]  }
0x11f: {  	v0 =	vadd.f32 v1, v0  }
0x120: {  	v1 =	vld [tilespmem:s17+$0x9300]  }
0x121: {  	v0 =	vadd.f32 v2, v0  }
0x122: {  	v2 =	vld [tilespmem:s17+$0x9380]  }
0x123: {  	v0 =	vadd.f32 v3, v0  }
0x124: {  	v3 =	vld [tilespmem:s17+$0xA000]  }
0x125: {  	v0 =	vadd.f32 v1, v0  }
0x126: {  	v1 =	vld [tilespmem:s17+$0xA080]  }
0x127: {  	v0 =	vadd.f32 v2, v0  }
0x128: {  	v2 =	vld [tilespmem:s17+$0xA100]  }
0x129: {  	v0 =	vadd.f32 v3, v0  }
0x12a: {  	v3 =	vld [tilespmem:s17+$0xA180]  }
0x12b: {  	v0 =	vadd.f32 v1, v0  }
0x12c: {  	v1 =	vld [tilespmem:s17+$0xA200]  }
0x12d: {  	v0 =	vadd.f32 v2, v0  }
0x12e: {  	v2 =	vld [tilespmem:s17+$0xA280]  }
0x12f: {  	v0 =	vadd.f32 v3, v0  }
0x130: {  	v3 =	vld [tilespmem:s17+$0xA300]  }
0x131: {  	v0 =	vadd.f32 v1, v0  }
0x132: {  	v1 =	vld [tilespmem:s17+$0xA380]  }
0x133: {  	v0 =	vadd.f32 v2, v0  }
0x134: {  	v2 =	vld [tilespmem:s17+$0xB000]  }
0x135: {  	v0 =	vadd.f32 v3, v0  }
0x136: {  	v3 =	vld [tilespmem:s17+$0xB080]  }
0x137: {  	v0 =	vadd.f32 v1, v0  }
0x138: {  	v1 =	vld [tilespmem:s17+$0xB100]  }
0x139: {  	v0 =	vadd.f32 v2, v0  }
0x13a: {  	v2 =	vld [tilespmem:s17+$0xB180]  }
0x13b: {  	v0 =	vadd.f32 v3, v0  }
0x13c: {  	v3 =	vld [tilespmem:s17+$0xB200]  }
0x13d: {  	v0 =	vadd.f32 v1, v0  }
0x13e: {  	v1 =	vld [tilespmem:s17+$0xB280]  }
0x13f: {  	v0 =	vadd.f32 v2, v0  }
0x140: {  	v2 =	vld [tilespmem:s17+$0xB300]  }
0x141: {  	v0 =	vadd.f32 v3, v0  }
0x142: {  	v3 =	vld [tilespmem:s17+$0xB380]  }
0x143: {  	v0 =	vadd.f32 v1, v0  }
0x144: {  	v1 =	vld [tilespmem:s17+$0xC000]  }
0x145: {  	v0 =	vadd.f32 v2, v0  }
0x146: {  	v2 =	vld [tilespmem:s17+$0xC080]  }
0x147: {  	v0 =	vadd.f32 v3, v0  }
0x148: {  	v3 =	vld [tilespmem:s17+$0xC100]  }
0x149: {  	v0 =	vadd.f32 v1, v0  }
0x14a: {  	v1 =	vld [tilespmem:s17+$0xC180]  }
0x14b: {  	v0 =	vadd.f32 v2, v0  }
0x14c: {  	v2 =	vld [tilespmem:s17+$0xC200]  }
0x14d: {  	v0 =	vadd.f32 v3, v0  }
0x14e: {  	v3 =	vld [tilespmem:s17+$0xC280]  }
0x14f: {  	v0 =	vadd.f32 v1, v0  }
0x150: {  	v1 =	vld [tilespmem:s17+$0xC300]  }
0x151: {  	v0 =	vadd.f32 v2, v0  }
0x152: {  	v2 =	vld [tilespmem:s17+$0xC380]  }
0x153: {  	v0 =	vadd.f32 v3, v0  }
0x154: {  	v3 =	vld [tilespmem:s17+$0xD000]  }
0x155: {  	v0 =	vadd.f32 v1, v0  }
0x156: {  	v1 =	vld [tilespmem:s17+$0xD080]  }
0x157: {  	v0 =	vadd.f32 v2, v0;
	_ =	sdelay $0x1  }
0x158: {  	s15 =	sadd.s32 $0x10, s15;
	v0 =	vadd.f32 v3, v0  }
0x159: {  	v2 =	vld [tilespmem:s15+$0x0]  }
0x15a: {  	v0 =	vadd.f32 v1, v0;
	_ =	sdelay $0x1  }
.Ltmp1:
0x15b: {  	v0 =	vmul.f32 $1.999999960e-02, v0;
	(pc) =	sbr.rel @p0 .LBB2_4-.Ltmp1, $4  }
0x15c: {  	_ = 	snop  }
0x15d: {  	s18 =	sadd.s32 $0x80, s18;
	v0 =	vadd.f32 v0, v2  }
0x15e: {  	s16 =	sadd.s32 $0x10, s16;
	s20 =	sand.u32 $0xC00, s18;
	s17 =	sand.u32 $0x70, s19  }
0x15f: {  	s19 =	sadd.s32 $0x10, s19;
	s17 =	sor.u32 s17, s20;
	[tilespmem:s16+$0x0] =	vst v0  }
0x160: {  	v0 =	vld [tilespmem:s17+$0x7080]  }
0x161: {  	v1 =	vld [tilespmem:s17+$0x7000];
	_ =	sdelay $0x1  }
0x162: {  	v2 =	vld [tilespmem:s17+$0x7100];
	_ =	sdelay $0x1  }
0x163: {  	v3 =	vld [tilespmem:s17+$0x7180]  }
0x164: {  	v0 =	vadd.f32 v0, v1  }
0x165: {  	v17 =	vld [tilespmem:s17+$0x7200]  }
0x166: {  	v0 =	vadd.f32 v2, v0  }
0x167: {  	v18 =	vld [tilespmem:s17+$0x7280]  }
0x168: {  	v0 =	vadd.f32 v3, v0  }
0x169: {  	v19 =	vld [tilespmem:s17+$0x7300]  }
0x16a: {  	v0 =	vadd.f32 v17, v0  }
0x16b: {  	v20 =	vld [tilespmem:s17+$0x7380]  }
0x16c: {  	v0 =	vadd.f32 v18, v0  }
0x16d: {  	v21 =	vld [tilespmem:s17+$0x8000]  }
0x16e: {  	v0 =	vadd.f32 v19, v0  }
0x16f: {  	v22 =	vld [tilespmem:s17+$0x8080]  }
0x170: {  	v0 =	vadd.f32 v20, v0  }
0x171: {  	v23 =	vld [tilespmem:s17+$0x8100]  }
0x172: {  	v0 =	vadd.f32 v21, v0  }
0x173: {  	v24 =	vld [tilespmem:s17+$0x8180]  }
0x174: {  	v0 =	vadd.f32 v22, v0  }
0x175: {  	v25 =	vld [tilespmem:s17+$0x8200]  }
0x176: {  	v0 =	vadd.f32 v23, v0  }
0x177: {  	v26 =	vld [tilespmem:s17+$0x8280]  }
0x178: {  	v0 =	vadd.f32 v24, v0  }
0x179: {  	v27 =	vld [tilespmem:s17+$0x8300]  }
0x17a: {  	v0 =	vadd.f32 v25, v0  }
0x17b: {  	v28 =	vld [tilespmem:s17+$0x8380]  }
0x17c: {  	v0 =	vadd.f32 v26, v0  }
0x17d: {  	v29 =	vld [tilespmem:s17+$0x9000]  }
0x17e: {  	v0 =	vadd.f32 v27, v0  }
0x17f: {  	v30 =	vld [tilespmem:s17+$0x9080]  }
0x180: {  	v0 =	vadd.f32 v28, v0  }
0x181: {  	v31 =	vld [tilespmem:s17+$0x9100]  }
0x182: {  	v0 =	vadd.f32 v29, v0  }
0x183: {  	v32 =	vld [tilespmem:s17+$0x9180]  }
0x184: {  	v0 =	vadd.f32 v30, v0  }
0x185: {  	v33 =	vld [tilespmem:s17+$0x9200]  }
0x186: {  	v0 =	vadd.f32 v31, v0  }
0x187: {  	v34 =	vld [tilespmem:s17+$0x9280]  }
0x188: {  	v0 =	vadd.f32 v32, v0  }
0x189: {  	v35 =	vld [tilespmem:s17+$0x9300]  }
0x18a: {  	v0 =	vadd.f32 v33, v0  }
0x18b: {  	v36 =	vld [tilespmem:s17+$0x9380]  }
0x18c: {  	v0 =	vadd.f32 v34, v0  }
0x18d: {  	v37 =	vld [tilespmem:s17+$0xA000]  }
0x18e: {  	v0 =	vadd.f32 v35, v0  }
0x18f: {  	v38 =	vld [tilespmem:s17+$0xA080]  }
0x190: {  	v0 =	vadd.f32 v36, v0  }
0x191: {  	v39 =	vld [tilespmem:s17+$0xA100]  }
0x192: {  	v0 =	vadd.f32 v37, v0  }
0x193: {  	v40 =	vld [tilespmem:s17+$0xA180]  }
0x194: {  	v0 =	vadd.f32 v38, v0  }
0x195: {  	v41 =	vld [tilespmem:s17+$0xA200]  }
0x196: {  	v0 =	vadd.f32 v39, v0  }
0x197: {  	v42 =	vld [tilespmem:s17+$0xA280]  }
0x198: {  	v0 =	vadd.f32 v40, v0  }
0x199: {  	v43 =	vld [tilespmem:s17+$0xA300]  }
0x19a: {  	v0 =	vadd.f32 v41, v0  }
0x19b: {  	v44 =	vld [tilespmem:s17+$0xA380]  }
0x19c: {  	v0 =	vadd.f32 v42, v0  }
0x19d: {  	v45 =	vld [tilespmem:s17+$0xB000]  }
0x19e: {  	v0 =	vadd.f32 v43, v0  }
0x19f: {  	v46 =	vld [tilespmem:s17+$0xB080]  }
0x1a0: {  	v0 =	vadd.f32 v44, v0  }
0x1a1: {  	v47 =	vld [tilespmem:s17+$0xB100]  }
0x1a2: {  	v0 =	vadd.f32 v45, v0  }
0x1a3: {  	v48 =	vld [tilespmem:s17+$0xB180]  }
0x1a4: {  	v0 =	vadd.f32 v46, v0  }
0x1a5: {  	v49 =	vld [tilespmem:s17+$0xB200]  }
0x1a6: {  	v0 =	vadd.f32 v47, v0  }
0x1a7: {  	v50 =	vld [tilespmem:s17+$0xB280]  }
0x1a8: {  	v0 =	vadd.f32 v48, v0  }
0x1a9: {  	v51 =	vld [tilespmem:s17+$0xB300]  }
0x1aa: {  	v0 =	vadd.f32 v49, v0  }
0x1ab: {  	v52 =	vld [tilespmem:s17+$0xB380]  }
0x1ac: {  	v0 =	vadd.f32 v50, v0  }
0x1ad: {  	v53 =	vld [tilespmem:s17+$0xC000]  }
0x1ae: {  	v0 =	vadd.f32 v51, v0  }
0x1af: {  	v54 =	vld [tilespmem:s17+$0xC080]  }
0x1b0: {  	v0 =	vadd.f32 v52, v0  }
0x1b1: {  	v55 =	vld [tilespmem:s17+$0xC100]  }
0x1b2: {  	v0 =	vadd.f32 v53, v0  }
0x1b3: {  	v56 =	vld [tilespmem:s17+$0xC180]  }
0x1b4: {  	v0 =	vadd.f32 v54, v0  }
0x1b5: {  	v57 =	vld [tilespmem:s17+$0xC200]  }
0x1b6: {  	v0 =	vadd.f32 v55, v0  }
0x1b7: {  	v58 =	vld [tilespmem:s17+$0xC280]  }
0x1b8: {  	v0 =	vadd.f32 v56, v0  }
0x1b9: {  	v59 =	vld [tilespmem:s17+$0xC300]  }
0x1ba: {  	v0 =	vadd.f32 v57, v0  }
0x1bb: {  	v60 =	vld [tilespmem:s17+$0xC380]  }
0x1bc: {  	v0 =	vadd.f32 v58, v0  }
0x1bd: {  	v61 =	vld [tilespmem:s17+$0xD000]  }
0x1be: {  	v0 =	vadd.f32 v59, v0  }
0x1bf: {  	v62 =	vld [tilespmem:s17+$0xD080]  }
0x1c0: {  	v0 =	vadd.f32 v60, v0;
	_ =	sdelay $0x1  }
0x1c1: {  	s15 =	sadd.s32 $0x10, s15;
	v0 =	vadd.f32 v61, v0  }
0x1c2: {  	v63 =	vld [tilespmem:s15+$0x0]  }
0x1c3: {  	v0 =	vadd.f32 v62, v0;
	_ =	sdelay $0x1  }
0x1c4: {  	v0 =	vmul.f32 $1.999999960e-02, v0;
	_ =	sdelay $0x1  }
0x1c5: {  	s14 =	sadd.s32 $0x1, s14;
	v0 =	vadd.f32 v0, v63  }
0x1c6: {  	s20 =	sadd.s32 $0x10, s16;
	p0 =	sne.s32 s14, s7  }
.Ltmp2:
0x1c7: {  	[tilespmem:s20+$0x0] =	vst v0;
	(pc) =	sbr.rel @p0 .LBB2_1-.Ltmp2, $4  }
0x1c8: {  	[hbm4b:s6+s2] =	stream.linear.scatter [tilespmem:s13], [sflag:$0x2], $0x200, $0x38;
	[tilespmem:$0xE400] =	vst v63  }
0x1c9: {  	_ =	swait.ge [sflag:s10], $0x200  }
0x1ca: {  	[sflag:s10] =	ssyncset.done $0x0  }
0x1cb: {  	[sflag:s10] =	ssyncadd.s32 $0xFFFFFE00  }
0x1cc: {  	_ =	sfence.sel $0x180000  }
0x1cd: {  	[bflag:$0x0] =	sbarrier.arrive $0xFFFF  }
0x1ce: {  	_ =	strace $0x90000047  }
0x1cf: {  	s0 =	stileid.u32;
	[bflag:$0x2] =	sbarrier.arrive $0xFFFF  }
0x1d0: {  	p0 =	sne.s32 s0, $0x0;
	s0 =	rddreg [dreg:$0x3]  }
0x1d1: {  	s0 =	sadd.s32 @!p0 $0x100000, s0  }
0x1d2: {  	[sflag:s0] =	ssyncadd.tile.s32 @!p0 $0x1;
	_ =	shalt  }
.Lfunc_end2:
_tile_overlayer_lowered:
.L_overlay_start_2:
0x1d3: {  	(tag) =	ssettag $0x2  }
0x1d4: {  	s0 =	rddreg [dreg:$0x0];
	s2 =	stileid.u32  }
0x1d5: {  	s1 =	rddreg [dreg:$0x1];
	p0 =	sne.s32 s2, $0x0  }
0x1d6: {  	s3 =	rddreg [dreg:$0x2];
	[bflag:$0x3] =	sbarrier.arrive $0xFFFF;
	s2 =	simm.s32 @!p0 $0x1C02  }
0x1d7: {  	[timem:s3], [sflag:s2] =	dma.local @!p0 [hbm:s0], s1  }
0x1d8: {  	s0 =	simm.s32 @!p0 $0x2  }
0x1d9: {  	_ =	swait.ge @!p0 [sflag:s0], s1  }
0x1da: {  	s1 =	ssub.s32 @!p0 $0x0, s1;
	[sflag:s0] =	ssyncset.done @!p0 $0x0  }
0x1db: {  	[sflag:s0] =	ssyncadd.s32 @!p0 s1  }
0x1dc: {  	[bflag:$0x3] =	sbarrier.arrive $0xFFFF  }
0x1dd: {  	_ =	shalt  }

</sc_bundles>
